<compile_context>
chip_gen: v7x
topology: tpu7x:2x2x1
jax: 0.10.2.dev20260603
libtpu: 0.0.44.dev20260713+nightly
codegen_flags: <defaults>
</compile_context>

<pallas_src>
import jax
import jax.numpy as jnp
from jax import lax
from jax.experimental import pallas as pl
from jax.experimental.pallas import tpu as pltpu
from jax.experimental.pallas import tpu_sc as plsc

_NC = 2
_NS = 16
_K = 128


def _sc_agg_call(x2, src2, dst2, zf):
    _, _, C = x2.shape
    S = src2.shape[2]
    NP = zf.shape[0]
    R = NP // _NS
    mesh = plsc.VectorSubcoreMesh(core_axis_name="c", subcore_axis_name="s")

    outs = [jax.ShapeDtypeStruct((_NC, NP, C), jnp.float32)]
    scratch = [
        pltpu.VMEM((S, _K), jnp.int32),
        pltpu.VMEM((S, _K), jnp.int32),
        pltpu.VMEM((_K, C), jnp.float32),
        pltpu.VMEM_SHARED((NP, C), jnp.float32),
        pltpu.SemaphoreType.DMA,
    ]

    def kbody(x2_r, src_r, dst_r, zf_r, agg_o, src_v, dst_v, gbuf, acc_sh,
              sem):
        c = lax.axis_index("c")
        s = lax.axis_index("s")
        row0 = s * R

        pltpu.sync_copy(src_r.at[c, s], src_v)
        pltpu.sync_copy(dst_r.at[c, s], dst_v)
        pltpu.sync_copy(zf_r.at[pl.ds(row0, R)], acc_sh.at[pl.ds(row0, R)])
        plsc.subcore_barrier()

        xsrc = x2_r.at[c]

        def step(j, carry):
            pltpu.async_copy(xsrc.at[src_v.at[j]], gbuf, sem).wait()
            pltpu.sync_copy(gbuf, acc_sh.at[dst_v.at[j]], add=True)
            return carry

        lax.fori_loop(0, S, step, 0)
        plsc.subcore_barrier()

        pltpu.sync_copy(acc_sh.at[pl.ds(row0, R)], agg_o.at[c, pl.ds(row0, R)])

    fn = pl.kernel(kbody, out_type=tuple(outs), mesh=mesh,
                   scratch_types=tuple(scratch))
    return fn(x2, src2, dst2, zf)[0]


def _sc_cnt_call(dstf, zc1):
    ept = dstf.shape[2]
    NR = zc1.shape[0]
    mesh = plsc.VectorSubcoreMesh(core_axis_name="c", subcore_axis_name="s")

    def kbody(dst_r, zc_r, cntp_o, dst_v, cnt_v):
        c = lax.axis_index("c")
        s = lax.axis_index("s")
        pltpu.sync_copy(dst_r.at[c, s], dst_v)
        pltpu.sync_copy(zc_r, cnt_v)
        onesv = jnp.ones((16,), jnp.float32)

        def step(i, carry):
            idx = dst_v[pl.ds(i * 16, 16)]
            plsc.addupdate_scatter(cnt_v, [idx >> 7, idx & 127], onesv)
            return carry

        lax.fori_loop(0, ept // 16, step, 0)
        pltpu.sync_copy(cnt_v, cntp_o.at[c, s])

    fn = pl.kernel(
        kbody,
        out_type=(jax.ShapeDtypeStruct((_NC, _NS, NR, 128), jnp.float32),),
        mesh=mesh,
        scratch_types=(
            pltpu.VMEM((ept,), jnp.int32),
            pltpu.VMEM((NR, 128), jnp.float32),
        ),
        compiler_params=pltpu.CompilerParams(needs_layout_passes=False),
    )
    return fn(dstf, zc1)[0]


def _tc_layer(agg, cnt, xdst2, wlt2, bl2, wrt2, lnw2, lnb2):
    _, N, C = xdst2.shape
    NP = agg.shape[1]

    NR = NP // 128

    def body(agg_r, cnt_r, x_r, wl_r, bl_r, wr_r, lw_r, lb_r, o_r):
        a3 = agg_r[0].reshape(NR, 128, C)
        cv = jnp.sum(cnt_r[0], axis=0)
        inv = 1.0 / jnp.maximum(cv, 1.0)
        m = (a3 * inv[:, :, None]).reshape(NP, C)[:N]
        h = (jnp.dot(m, wl_r[0], preferred_element_type=jnp.float32)
             + bl_r[0]
             + jnp.dot(x_r[0], wr_r[0], preferred_element_type=jnp.float32))
        mu = jnp.mean(h, axis=-1, keepdims=True)
        var = jnp.mean(jnp.square(h - mu), axis=-1, keepdims=True)
        y = (h - mu) * lax.rsqrt(var + 1e-5) * lw_r[0] + lb_r[0]
        o_r[0] = jnp.maximum(y, 0.0)

    return pl.pallas_call(
        body,
        grid=(2,),
        in_specs=[
            pl.BlockSpec((1, NP, C), lambda t: (t, 0, 0)),
            pl.BlockSpec((1, _NS, NP // 128, 128), lambda t: (t, 0, 0, 0)),
            pl.BlockSpec((1, N, C), lambda t: (t, 0, 0)),
            pl.BlockSpec((1, C, C), lambda t: (t, 0, 0)),
            pl.BlockSpec((1, 1, C), lambda t: (t, 0, 0)),
            pl.BlockSpec((1, C, C), lambda t: (t, 0, 0)),
            pl.BlockSpec((1, 1, C), lambda t: (t, 0, 0)),
            pl.BlockSpec((1, 1, C), lambda t: (t, 0, 0)),
        ],
        out_specs=pl.BlockSpec((1, N, C), lambda t: (t, 0, 0)),
        out_shape=jax.ShapeDtypeStruct((2, N, C), jnp.float32),
    )(agg, cnt, xdst2, wlt2, bl2, wrt2, lnw2, lnb2)


def kernel(x_user, x_item, ei_ui, ei_iu,
           Wl_0_ui, bl_0_ui, Wr_0_ui, Wl_0_iu, bl_0_iu, Wr_0_iu,
           ln_w_0_user, ln_b_0_user, ln_w_0_item, ln_b_0_item,
           Wl_1_ui, bl_1_ui, Wr_1_ui, Wl_1_iu, bl_1_iu, Wr_1_iu,
           ln_w_1_user, ln_b_1_user, ln_w_1_item, ln_b_1_item):
    N, C = x_user.shape
    E = ei_ui.shape[1]
    ept = -(-E // (_NS * _K)) * _K
    S = ept // _K
    tot = ept * _NS
    NP = ((N + 1 + 127) // 128) * 128

    pad = tot - E
    pad_dst = N + (jnp.arange(pad, dtype=jnp.int32) % (NP - N))

    def prep(ei):
        src = jnp.concatenate([ei[0], jnp.zeros((pad,), jnp.int32)])
        dst = jnp.concatenate([ei[1], pad_dst])
        return src.reshape(_NS, S, _K), dst.reshape(_NS, S, _K)

    su, du = prep(ei_ui)
    si, di = prep(ei_iu)
    src2 = jnp.stack([su, si])
    dst2 = jnp.stack([du, di])
    zf = jnp.zeros((NP, C), jnp.float32)
    zc1 = jnp.zeros((NP // 128, 128), jnp.float32)

    cnt = _sc_cnt_call(dst2.reshape(_NC, _NS, -1), zc1)
    agg0 = _sc_agg_call(jnp.stack([x_user, x_item]), src2, dst2, zf)
    out0 = _tc_layer(
        agg0, cnt, jnp.stack([x_item, x_user]),
        jnp.stack([Wl_0_ui.T, Wl_0_iu.T]),
        jnp.stack([bl_0_ui, bl_0_iu])[:, None, :],
        jnp.stack([Wr_0_ui.T, Wr_0_iu.T]),
        jnp.stack([ln_w_0_item, ln_w_0_user])[:, None, :],
        jnp.stack([ln_b_0_item, ln_b_0_user])[:, None, :],
    )
    x_item1, x_user1 = out0[0], out0[1]

    agg1 = _sc_agg_call(jnp.stack([x_user1, x_item1]), src2, dst2, zf)
    out1 = _tc_layer(
        agg1, cnt, jnp.stack([x_item1, x_user1]),
        jnp.stack([Wl_1_ui.T, Wl_1_iu.T]),
        jnp.stack([bl_1_ui, bl_1_iu])[:, None, :],
        jnp.stack([Wr_1_ui.T, Wr_1_iu.T]),
        jnp.stack([ln_w_1_item, ln_w_1_user])[:, None, :],
        jnp.stack([ln_b_1_item, ln_b_1_user])[:, None, :],
    )
    return (out1[1], out1[0])

# --- scband reference (transcript-rebuilt; emitter-appended) ---
"""Pipeline reference for scband-hetero-gnn-25709674234350 (READ-ONLY COPY).

The authoritative reference and input builder live on the scoring server;
editing this copy changes nothing except your own understanding.
"""

import jax, jax.numpy as jnp
import numpy as np

N = 10000
C = 128
E = 160000
L = 2
EDGE_TYPES = [("ui", "user", "item"), ("iu", "item", "user")]


def setup_inputs(seed: int = 0) -> dict:
    key = jax.random.key(seed)
    ks = iter(jax.random.split(key, 64))
    inp = {}
    inp["x_user"] = jax.random.normal(next(ks), (N, C), dtype=jnp.float32)
    inp["x_item"] = jax.random.normal(next(ks), (N, C), dtype=jnp.float32)
    inp["ei_ui"] = jax.random.randint(next(ks), (2, E), 0, N, dtype=jnp.int32)
    inp["ei_iu"] = jax.random.randint(next(ks), (2, E), 0, N, dtype=jnp.int32)
    s = 1.0 / np.sqrt(C)
    for l in range(L):
        for e, _, _ in EDGE_TYPES:
            inp[f"Wl_{l}_{e}"] = jax.random.normal(next(ks), (C, C), dtype=jnp.float32) * s
            inp[f"bl_{l}_{e}"] = jnp.zeros((C,), dtype=jnp.float32)
            inp[f"Wr_{l}_{e}"] = jax.random.normal(next(ks), (C, C), dtype=jnp.float32) * s
        for t in ("user", "item"):
            inp[f"ln_w_{l}_{t}"] = jnp.ones((C,), dtype=jnp.float32)
            inp[f"ln_b_{l}_{t}"] = jnp.zeros((C,), dtype=jnp.float32)
    return inp


def _sage_mean(x_src, x_dst, ei, Wl, bl, Wr):
    # PyG SAGEConv((C, C), C, aggr='mean'): out = lin_l(mean_aggr(x_src[src] -> dst)) + lin_r(x_dst)
    src = ei[0]
    dst = ei[1]
    msg = x_src[src]
    agg = jax.ops.segment_sum(msg, dst, num_segments=x_dst.shape[0])
    cnt = jax.ops.segment_sum(jnp.ones((ei.shape[1],), dtype=x_src.dtype), dst, num_segments=x_dst.shape[0])
    agg = agg / jnp.clip(cnt, 1.0, None)[:, None]
    return agg @ Wl.T + bl + x_dst @ Wr.T


def _layer_norm(x, w, b, eps=1e-5):
    # PyG LayerNorm(mode='node'): per-node normalization over feature dim
    mu = jnp.mean(x, axis=-1, keepdims=True)
    var = jnp.var(x, axis=-1, keepdims=True)
    return (x - mu) / jnp.sqrt(var + eps) * w + b


def reference(x_user, x_item, ei_ui, ei_iu,
              Wl_0_ui, bl_0_ui, Wr_0_ui, Wl_0_iu, bl_0_iu, Wr_0_iu,
              ln_w_0_user, ln_b_0_user, ln_w_0_item, ln_b_0_item,
              Wl_1_ui, bl_1_ui, Wr_1_ui, Wl_1_iu, bl_1_iu, Wr_1_iu,
              ln_w_1_user, ln_b_1_user, ln_w_1_item, ln_b_1_item):
    p = {k: v for k, v in locals().items() if k not in ("x_user", "x_item", "ei_ui", "ei_iu")}
    # feature_dropout=0.0 -> identity
    xd = {"user": x_user, "item": x_item}
    ei = {"ui": ei_ui, "iu": ei_iu}
    for l in range(L):
        out = {"user": jnp.zeros_like(xd["user"]), "item": jnp.zeros_like(xd["item"])}
        for e, srct, dstt in EDGE_TYPES:
            out[dstt] = out[dstt] + _sage_mean(xd[srct], xd[dstt], ei[e], p[f"Wl_{l}_{e}"], p[f"bl_{l}_{e}"], p[f"Wr_{l}_{e}"])
        xd = {t: jax.nn.relu(_layer_norm(out[t], p[f"ln_w_{l}_{t}"], p[f"ln_b_{l}_{t}"])) for t in ("user", "item")}
    return (xd["user"], xd["item"])

if __name__ == "__main__":
    import jax
    _d = setup_inputs()
    print(jax.jit(kernel)(*tuple(_d.values())))

</pallas_src>

<mosaic_0001>
#map = affine_map<(d0, d1) -> (0, 0, 0)>
#map1 = affine_map<(d0, d1) -> (0, 0, 0, 0)>
#map2 = affine_map<(d0, d1) -> (0, 0)>
module attributes {stable_mosaic.version = 14 : i64} {
  func.func @kbody(%arg0: i32, %arg1: i32, %arg2: memref<2x10000x128xf32, #tpu.memory_space<hbm>>, %arg3: memref<2x16x79x128xi32, #tpu.memory_space<hbm>>, %arg4: memref<2x16x79x128xi32, #tpu.memory_space<hbm>>, %arg5: memref<10112x128xf32, #tpu.memory_space<hbm>>, %arg6: memref<2x10112x128xf32, #tpu.memory_space<hbm>>, %arg7: memref<79x128xi32, #tpu.memory_space<vmem>>, %arg8: memref<79x128xi32, #tpu.memory_space<vmem>>, %arg9: memref<128x128xf32, #tpu.memory_space<vmem>>, %arg10: memref<10112x128xf32, #tpu.memory_space<vmem_shared>>, %arg11: memref<!tpu.dma_semaphore, #tpu.memory_space<semaphore_mem>>) attributes {dimension_semantics = [#tpu.dimension_semantics<core_parallel>, #tpu.dimension_semantics<subcore_parallel>], iteration_bounds = array<i64: 2, 16>, scalar_prefetch = 0 : i64, scratch_operands = 5 : i64, tpu.core_type = #tpu.core_type<sc_vector_subcore>, window_params = [{transform_indices = #map}, {transform_indices = #map1}, {transform_indices = #map1}, {transform_indices = #map2}, {transform_indices = #map}]} {
    %mul3A = arith.constant 632 : i32
    %mul3A_0 = arith.muli %arg1, %mul3A : i32
    "tpu.region"() ({
      %run_scoped3A = tpu.sem_alloc : memref<!tpu.dma_semaphore, #tpu.memory_space<semaphore_mem>>
      %dma_start3A = arith.constant 0 : i32
      %dma_start3A_7 = arith.constant 0 : i32
      %dma_start3A_8 = tpu.memref_slice %arg3[%arg0, %arg1, %dma_start3A, %dma_start3A_7] : memref<2x16x79x128xi32, #tpu.memory_space<hbm>> -> memref<1x1x79x128xi32, #tpu.memory_space<hbm>>
      %dma_start3A_9 = tpu.memref_squeeze %dma_start3A_8 : memref<1x1x79x128xi32, #tpu.memory_space<hbm>> -> memref<79x128xi32, #tpu.memory_space<hbm>>
      %dma_start3A_10 = arith.constant 0 : i32
      %dma_start3A_11 = arith.constant 0 : i32
      %dma_start3A_12 = tpu.memref_slice %arg3[%arg0, %arg1, %dma_start3A_10, %dma_start3A_11] : memref<2x16x79x128xi32, #tpu.memory_space<hbm>> -> memref<1x1x79x128xi32, #tpu.memory_space<hbm>>
      %dma_start3A_13 = tpu.memref_squeeze %dma_start3A_12 : memref<1x1x79x128xi32, #tpu.memory_space<hbm>> -> memref<79x128xi32, #tpu.memory_space<hbm>>
      tpu.enqueue_dma source(%dma_start3A_13 : memref<79x128xi32, #tpu.memory_space<hbm>>) target(%arg7 : memref<79x128xi32, #tpu.memory_space<vmem>>) target_semaphore(%run_scoped3A : memref<!tpu.dma_semaphore, #tpu.memory_space<semaphore_mem>>)
      %dma_wait3A = arith.constant 0 : i32
      %dma_wait3A_14 = arith.constant 0 : i32
      %dma_wait3A_15 = tpu.memref_slice %arg3[%arg0, %arg1, %dma_wait3A, %dma_wait3A_14] : memref<2x16x79x128xi32, #tpu.memory_space<hbm>> -> memref<1x1x79x128xi32, #tpu.memory_space<hbm>>
      %dma_wait3A_16 = tpu.memref_squeeze %dma_wait3A_15 : memref<1x1x79x128xi32, #tpu.memory_space<hbm>> -> memref<79x128xi32, #tpu.memory_space<hbm>>
      %dma_wait3A_17 = arith.constant 0 : i32
      %dma_wait3A_18 = arith.constant 0 : i32
      %dma_wait3A_19 = tpu.memref_slice %arg3[%arg0, %arg1, %dma_wait3A_17, %dma_wait3A_18] : memref<2x16x79x128xi32, #tpu.memory_space<hbm>> -> memref<1x1x79x128xi32, #tpu.memory_space<hbm>>
      %dma_wait3A_20 = tpu.memref_squeeze %dma_wait3A_19 : memref<1x1x79x128xi32, #tpu.memory_space<hbm>> -> memref<79x128xi32, #tpu.memory_space<hbm>>
      tpu.wait_dma2 semaphore(%run_scoped3A : memref<!tpu.dma_semaphore, #tpu.memory_space<semaphore_mem>>) src(%dma_wait3A_20 : memref<79x128xi32, #tpu.memory_space<hbm>>) dst(%arg7 : memref<79x128xi32, #tpu.memory_space<vmem>>)
      tpu.yield
    }) : () -> ()
    "tpu.region"() ({
      %run_scoped3A = tpu.sem_alloc : memref<!tpu.dma_semaphore, #tpu.memory_space<semaphore_mem>>
      %dma_start3A = arith.constant 0 : i32
      %dma_start3A_7 = arith.constant 0 : i32
      %dma_start3A_8 = tpu.memref_slice %arg4[%arg0, %arg1, %dma_start3A, %dma_start3A_7] : memref<2x16x79x128xi32, #tpu.memory_space<hbm>> -> memref<1x1x79x128xi32, #tpu.memory_space<hbm>>
      %dma_start3A_9 = tpu.memref_squeeze %dma_start3A_8 : memref<1x1x79x128xi32, #tpu.memory_space<hbm>> -> memref<79x128xi32, #tpu.memory_space<hbm>>
      %dma_start3A_10 = arith.constant 0 : i32
      %dma_start3A_11 = arith.constant 0 : i32
      %dma_start3A_12 = tpu.memref_slice %arg4[%arg0, %arg1, %dma_start3A_10, %dma_start3A_11] : memref<2x16x79x128xi32, #tpu.memory_space<hbm>> -> memref<1x1x79x128xi32, #tpu.memory_space<hbm>>
      %dma_start3A_13 = tpu.memref_squeeze %dma_start3A_12 : memref<1x1x79x128xi32, #tpu.memory_space<hbm>> -> memref<79x128xi32, #tpu.memory_space<hbm>>
      tpu.enqueue_dma source(%dma_start3A_13 : memref<79x128xi32, #tpu.memory_space<hbm>>) target(%arg8 : memref<79x128xi32, #tpu.memory_space<vmem>>) target_semaphore(%run_scoped3A : memref<!tpu.dma_semaphore, #tpu.memory_space<semaphore_mem>>)
      %dma_wait3A = arith.constant 0 : i32
      %dma_wait3A_14 = arith.constant 0 : i32
      %dma_wait3A_15 = tpu.memref_slice %arg4[%arg0, %arg1, %dma_wait3A, %dma_wait3A_14] : memref<2x16x79x128xi32, #tpu.memory_space<hbm>> -> memref<1x1x79x128xi32, #tpu.memory_space<hbm>>
      %dma_wait3A_16 = tpu.memref_squeeze %dma_wait3A_15 : memref<1x1x79x128xi32, #tpu.memory_space<hbm>> -> memref<79x128xi32, #tpu.memory_space<hbm>>
      %dma_wait3A_17 = arith.constant 0 : i32
      %dma_wait3A_18 = arith.constant 0 : i32
      %dma_wait3A_19 = tpu.memref_slice %arg4[%arg0, %arg1, %dma_wait3A_17, %dma_wait3A_18] : memref<2x16x79x128xi32, #tpu.memory_space<hbm>> -> memref<1x1x79x128xi32, #tpu.memory_space<hbm>>
      %dma_wait3A_20 = tpu.memref_squeeze %dma_wait3A_19 : memref<1x1x79x128xi32, #tpu.memory_space<hbm>> -> memref<79x128xi32, #tpu.memory_space<hbm>>
      tpu.wait_dma2 semaphore(%run_scoped3A : memref<!tpu.dma_semaphore, #tpu.memory_space<semaphore_mem>>) src(%dma_wait3A_20 : memref<79x128xi32, #tpu.memory_space<hbm>>) dst(%arg8 : memref<79x128xi32, #tpu.memory_space<vmem>>)
      tpu.yield
    }) : () -> ()
    "tpu.region"() ({
      %run_scoped3A = tpu.sem_alloc : memref<!tpu.dma_semaphore, #tpu.memory_space<semaphore_mem>>
      %dma_start3A = arith.constant 0 : i32
      %dma_start3A_7 = tpu.memref_slice %arg10[%mul3A_0, %dma_start3A] : memref<10112x128xf32, #tpu.memory_space<vmem_shared>> -> memref<632x128xf32, #tpu.memory_space<vmem_shared>>
      %dma_start3A_8 = arith.constant 0 : i32
      %dma_start3A_9 = tpu.memref_slice %arg5[%mul3A_0, %dma_start3A_8] : memref<10112x128xf32, #tpu.memory_space<hbm>> -> memref<632x128xf32, #tpu.memory_space<hbm>>
      tpu.enqueue_dma source(%dma_start3A_9 : memref<632x128xf32, #tpu.memory_space<hbm>>) target(%dma_start3A_7 : memref<632x128xf32, #tpu.memory_space<vmem_shared>>) target_semaphore(%run_scoped3A : memref<!tpu.dma_semaphore, #tpu.memory_space<semaphore_mem>>)
      %dma_wait3A = arith.constant 0 : i32
      %dma_wait3A_10 = tpu.memref_slice %arg10[%mul3A_0, %dma_wait3A] : memref<10112x128xf32, #tpu.memory_space<vmem_shared>> -> memref<632x128xf32, #tpu.memory_space<vmem_shared>>
      %dma_wait3A_11 = arith.constant 0 : i32
      %dma_wait3A_12 = tpu.memref_slice %arg5[%mul3A_0, %dma_wait3A_11] : memref<10112x128xf32, #tpu.memory_space<hbm>> -> memref<632x128xf32, #tpu.memory_space<hbm>>
      tpu.wait_dma2 semaphore(%run_scoped3A : memref<!tpu.dma_semaphore, #tpu.memory_space<semaphore_mem>>) src(%dma_wait3A_12 : memref<632x128xf32, #tpu.memory_space<hbm>>) dst(%dma_wait3A_10 : memref<632x128xf32, #tpu.memory_space<vmem_shared>>)
      tpu.yield
    }) : () -> ()
    %barrier3A = arith.constant 0 : index
    tpu.barrier barrier_id(%barrier3A)
    %scan3A = arith.constant 0 : i32
    %scan3A_1 = arith.constant 0 : i32
    %scan3A_2 = arith.constant 79 : i32
    %scan3A_3 = arith.addi %scan3A_1, %scan3A_2 : i32
    %scan3A_4 = arith.constant 1 : i32
    scf.for %scan3A_7 = %scan3A_1 to %scan3A_3 step %scan3A_4  : i32 {
      %dma_start3A = arith.constant 0 : i32
      %dma_start3A_8 = tpu.memref_slice %arg7[%scan3A_7, %dma_start3A] : memref<79x128xi32, #tpu.memory_space<vmem>> -> memref<1x128xi32, #tpu.memory_space<vmem>>
      %dma_start3A_9 = tpu.memref_squeeze %dma_start3A_8 : memref<1x128xi32, #tpu.memory_space<vmem>> -> memref<128xi32, #tpu.memory_space<vmem>>
      %dma_start3A_10 = arith.constant 0 : i32
      %dma_start3A_11 = arith.constant 0 : i32
      %dma_start3A_12 = tpu.memref_slice %arg2[%arg0, %dma_start3A_10, %dma_start3A_11] : memref<2x10000x128xf32, #tpu.memory_space<hbm>> -> memref<1x10000x128xf32, #tpu.memory_space<hbm>>
      %dma_start3A_13 = tpu.memref_squeeze %dma_start3A_12 : memref<1x10000x128xf32, #tpu.memory_space<hbm>> -> memref<10000x128xf32, #tpu.memory_space<hbm>>
      %dma_start3A_14 = arith.constant 0 : i32
      %dma_start3A_15 = arith.constant 0 : i32
      %dma_start3A_16 = tpu.memref_slice %dma_start3A_13[%dma_start3A_14, %dma_start3A_15] : memref<10000x128xf32, #tpu.memory_space<hbm>> -> memref<10000x128xf32, #tpu.memory_space<hbm>>
      tpu.enqueue_indirect_dma source(%dma_start3A_16 : memref<10000x128xf32, #tpu.memory_space<hbm>>) target(%arg9 : memref<128x128xf32, #tpu.memory_space<vmem>>) offsets(%dma_start3A_9 : memref<128xi32, #tpu.memory_space<vmem>>) semaphore(%arg11 : memref<!tpu.dma_semaphore, #tpu.memory_space<semaphore_mem>>)
      %dma_wait3A = arith.constant 0 : i32
      %dma_wait3A_17 = tpu.memref_slice %arg7[%scan3A_7, %dma_wait3A] : memref<79x128xi32, #tpu.memory_space<vmem>> -> memref<1x128xi32, #tpu.memory_space<vmem>>
      %dma_wait3A_18 = tpu.memref_squeeze %dma_wait3A_17 : memref<1x128xi32, #tpu.memory_space<vmem>> -> memref<128xi32, #tpu.memory_space<vmem>>
      %dma_wait3A_19 = arith.constant 0 : i32
      %dma_wait3A_20 = arith.constant 0 : i32
      %dma_wait3A_21 = tpu.memref_slice %arg2[%arg0, %dma_wait3A_19, %dma_wait3A_20] : memref<2x10000x128xf32, #tpu.memory_space<hbm>> -> memref<1x10000x128xf32, #tpu.memory_space<hbm>>
      %dma_wait3A_22 = tpu.memref_squeeze %dma_wait3A_21 : memref<1x10000x128xf32, #tpu.memory_space<hbm>> -> memref<10000x128xf32, #tpu.memory_space<hbm>>
      %dma_wait3A_23 = arith.constant 0 : i32
      %dma_wait3A_24 = arith.constant 0 : i32
      %dma_wait3A_25 = tpu.memref_slice %dma_wait3A_22[%dma_wait3A_23, %dma_wait3A_24] : memref<10000x128xf32, #tpu.memory_space<hbm>> -> memref<10000x128xf32, #tpu.memory_space<hbm>>
      tpu.wait_indirect_dma semaphore(%arg11 : memref<!tpu.dma_semaphore, #tpu.memory_space<semaphore_mem>>) src(%dma_wait3A_25 : memref<10000x128xf32, #tpu.memory_space<hbm>>) dst(%arg9 : memref<128x128xf32, #tpu.memory_space<vmem>>)
      "tpu.region"() ({
        %run_scoped3A = tpu.sem_alloc : memref<!tpu.dma_semaphore, #tpu.memory_space<semaphore_mem>>
        %dma_start3A_26 = arith.constant 0 : i32
        %dma_start3A_27 = tpu.memref_slice %arg8[%scan3A_7, %dma_start3A_26] : memref<79x128xi32, #tpu.memory_space<vmem>> -> memref<1x128xi32, #tpu.memory_space<vmem>>
        %dma_start3A_28 = tpu.memref_squeeze %dma_start3A_27 : memref<1x128xi32, #tpu.memory_space<vmem>> -> memref<128xi32, #tpu.memory_space<vmem>>
        %dma_start3A_29 = arith.constant 0 : i32
        %dma_start3A_30 = arith.constant 0 : i32
        %dma_start3A_31 = tpu.memref_slice %arg10[%dma_start3A_29, %dma_start3A_30] : memref<10112x128xf32, #tpu.memory_space<vmem_shared>> -> memref<10112x128xf32, #tpu.memory_space<vmem_shared>>
        tpu.enqueue_indirect_dma source(%arg9 : memref<128x128xf32, #tpu.memory_space<vmem>>) target(%dma_start3A_31 : memref<10112x128xf32, #tpu.memory_space<vmem_shared>>) offsets(%dma_start3A_28 : memref<128xi32, #tpu.memory_space<vmem>>) semaphore(%run_scoped3A : memref<!tpu.dma_semaphore, #tpu.memory_space<semaphore_mem>>) {add = true}
        %dma_wait3A_32 = arith.constant 0 : i32
        %dma_wait3A_33 = tpu.memref_slice %arg8[%scan3A_7, %dma_wait3A_32] : memref<79x128xi32, #tpu.memory_space<vmem>> -> memref<1x128xi32, #tpu.memory_space<vmem>>
        %dma_wait3A_34 = tpu.memref_squeeze %dma_wait3A_33 : memref<1x128xi32, #tpu.memory_space<vmem>> -> memref<128xi32, #tpu.memory_space<vmem>>
        %dma_wait3A_35 = arith.constant 0 : i32
        %dma_wait3A_36 = arith.constant 0 : i32
        %dma_wait3A_37 = tpu.memref_slice %arg10[%dma_wait3A_35, %dma_wait3A_36] : memref<10112x128xf32, #tpu.memory_space<vmem_shared>> -> memref<10112x128xf32, #tpu.memory_space<vmem_shared>>
        tpu.wait_indirect_dma semaphore(%run_scoped3A : memref<!tpu.dma_semaphore, #tpu.memory_space<semaphore_mem>>) src(%arg9 : memref<128x128xf32, #tpu.memory_space<vmem>>) dst(%dma_wait3A_37 : memref<10112x128xf32, #tpu.memory_space<vmem_shared>>)
        tpu.yield
      }) : () -> ()
    }
    %scan3A_5 = arith.constant 79 : i32
    %barrier3A_6 = arith.constant 0 : index
    tpu.barrier barrier_id(%barrier3A_6)
    "tpu.region"() ({
      %run_scoped3A = tpu.sem_alloc : memref<!tpu.dma_semaphore, #tpu.memory_space<semaphore_mem>>
      %dma_start3A = arith.constant 0 : i32
      %dma_start3A_7 = tpu.memref_slice %arg6[%arg0, %mul3A_0, %dma_start3A] : memref<2x10112x128xf32, #tpu.memory_space<hbm>> -> memref<1x632x128xf32, #tpu.memory_space<hbm>>
      %dma_start3A_8 = tpu.memref_squeeze %dma_start3A_7 : memref<1x632x128xf32, #tpu.memory_space<hbm>> -> memref<632x128xf32, #tpu.memory_space<hbm>>
      %dma_start3A_9 = arith.constant 0 : i32
      %dma_start3A_10 = tpu.memref_slice %arg10[%mul3A_0, %dma_start3A_9] : memref<10112x128xf32, #tpu.memory_space<vmem_shared>> -> memref<632x128xf32, #tpu.memory_space<vmem_shared>>
      tpu.enqueue_dma source(%dma_start3A_10 : memref<632x128xf32, #tpu.memory_space<vmem_shared>>) target(%dma_start3A_8 : memref<632x128xf32, #tpu.memory_space<hbm>>) target_semaphore(%run_scoped3A : memref<!tpu.dma_semaphore, #tpu.memory_space<semaphore_mem>>)
      %dma_wait3A = arith.constant 0 : i32
      %dma_wait3A_11 = tpu.memref_slice %arg6[%arg0, %mul3A_0, %dma_wait3A] : memref<2x10112x128xf32, #tpu.memory_space<hbm>> -> memref<1x632x128xf32, #tpu.memory_space<hbm>>
      %dma_wait3A_12 = tpu.memref_squeeze %dma_wait3A_11 : memref<1x632x128xf32, #tpu.memory_space<hbm>> -> memref<632x128xf32, #tpu.memory_space<hbm>>
      %dma_wait3A_13 = arith.constant 0 : i32
      %dma_wait3A_14 = tpu.memref_slice %arg10[%mul3A_0, %dma_wait3A_13] : memref<10112x128xf32, #tpu.memory_space<vmem_shared>> -> memref<632x128xf32, #tpu.memory_space<vmem_shared>>
      tpu.wait_dma2 semaphore(%run_scoped3A : memref<!tpu.dma_semaphore, #tpu.memory_space<semaphore_mem>>) src(%dma_wait3A_14 : memref<632x128xf32, #tpu.memory_space<vmem_shared>>) dst(%dma_wait3A_12 : memref<632x128xf32, #tpu.memory_space<hbm>>)
      tpu.yield
    }) : () -> ()
    return
  }
}

#map = affine_map<(d0, d1) -> (0, 0, 0)>
#map1 = affine_map<(d0, d1) -> (0, 0)>
#map2 = affine_map<(d0, d1) -> (0, 0, 0, 0)>
module attributes {stable_mosaic.version = 14 : i64} {
  func.func @kbody(%arg0: i32, %arg1: i32, %arg2: memref<2x16x10112xi32, #tpu.memory_space<hbm>>, %arg3: memref<79x128xf32, #tpu.memory_space<hbm>>, %arg4: memref<2x16x79x128xf32, #tpu.memory_space<hbm>>, %arg5: memref<10112xi32, #tpu.memory_space<vmem>>, %arg6: memref<79x128xf32, #tpu.memory_space<vmem>>) attributes {dimension_semantics = [#tpu.dimension_semantics<core_parallel>, #tpu.dimension_semantics<subcore_parallel>], iteration_bounds = array<i64: 2, 16>, scalar_prefetch = 0 : i64, scratch_operands = 2 : i64, tpu.core_type = #tpu.core_type<sc_vector_subcore>, window_params = [{transform_indices = #map}, {transform_indices = #map1}, {transform_indices = #map2}]} {
    "tpu.region"() ({
      %run_scoped3A = tpu.sem_alloc : memref<!tpu.dma_semaphore, #tpu.memory_space<semaphore_mem>>
      %dma_start3A = arith.constant 0 : i32
      %dma_start3A_6 = tpu.memref_slice %arg2[%arg0, %arg1, %dma_start3A] : memref<2x16x10112xi32, #tpu.memory_space<hbm>> -> memref<1x1x10112xi32, #tpu.memory_space<hbm>>
      %dma_start3A_7 = tpu.memref_squeeze %dma_start3A_6 : memref<1x1x10112xi32, #tpu.memory_space<hbm>> -> memref<10112xi32, #tpu.memory_space<hbm>>
      %dma_start3A_8 = arith.constant 0 : i32
      %dma_start3A_9 = tpu.memref_slice %arg2[%arg0, %arg1, %dma_start3A_8] : memref<2x16x10112xi32, #tpu.memory_space<hbm>> -> memref<1x1x10112xi32, #tpu.memory_space<hbm>>
      %dma_start3A_10 = tpu.memref_squeeze %dma_start3A_9 : memref<1x1x10112xi32, #tpu.memory_space<hbm>> -> memref<10112xi32, #tpu.memory_space<hbm>>
      tpu.enqueue_dma source(%dma_start3A_10 : memref<10112xi32, #tpu.memory_space<hbm>>) target(%arg5 : memref<10112xi32, #tpu.memory_space<vmem>>) target_semaphore(%run_scoped3A : memref<!tpu.dma_semaphore, #tpu.memory_space<semaphore_mem>>)
      %dma_wait3A = arith.constant 0 : i32
      %dma_wait3A_11 = tpu.memref_slice %arg2[%arg0, %arg1, %dma_wait3A] : memref<2x16x10112xi32, #tpu.memory_space<hbm>> -> memref<1x1x10112xi32, #tpu.memory_space<hbm>>
      %dma_wait3A_12 = tpu.memref_squeeze %dma_wait3A_11 : memref<1x1x10112xi32, #tpu.memory_space<hbm>> -> memref<10112xi32, #tpu.memory_space<hbm>>
      %dma_wait3A_13 = arith.constant 0 : i32
      %dma_wait3A_14 = tpu.memref_slice %arg2[%arg0, %arg1, %dma_wait3A_13] : memref<2x16x10112xi32, #tpu.memory_space<hbm>> -> memref<1x1x10112xi32, #tpu.memory_space<hbm>>
      %dma_wait3A_15 = tpu.memref_squeeze %dma_wait3A_14 : memref<1x1x10112xi32, #tpu.memory_space<hbm>> -> memref<10112xi32, #tpu.memory_space<hbm>>
      tpu.wait_dma2 semaphore(%run_scoped3A : memref<!tpu.dma_semaphore, #tpu.memory_space<semaphore_mem>>) src(%dma_wait3A_15 : memref<10112xi32, #tpu.memory_space<hbm>>) dst(%arg5 : memref<10112xi32, #tpu.memory_space<vmem>>)
      tpu.yield
    }) : () -> ()
    "tpu.region"() ({
      %run_scoped3A = tpu.sem_alloc : memref<!tpu.dma_semaphore, #tpu.memory_space<semaphore_mem>>
      tpu.enqueue_dma source(%arg3 : memref<79x128xf32, #tpu.memory_space<hbm>>) target(%arg6 : memref<79x128xf32, #tpu.memory_space<vmem>>) target_semaphore(%run_scoped3A : memref<!tpu.dma_semaphore, #tpu.memory_space<semaphore_mem>>)
      tpu.wait_dma2 semaphore(%run_scoped3A : memref<!tpu.dma_semaphore, #tpu.memory_space<semaphore_mem>>) src(%arg3 : memref<79x128xf32, #tpu.memory_space<hbm>>) dst(%arg6 : memref<79x128xf32, #tpu.memory_space<vmem>>)
      tpu.yield
    }) : () -> ()
    %broadcast_in_dim3A = arith.constant 1.000000e+00 : f32
    %broadcast_in_dim3A_0 = vector.broadcast %broadcast_in_dim3A : f32 to vector<16xf32>
    %scan3A = arith.constant 0 : i32
    %scan3A_1 = arith.constant 0 : i32
    %scan3A_2 = arith.constant 632 : i32
    %scan3A_3 = arith.addi %scan3A_1, %scan3A_2 : i32
    %scan3A_4 = arith.constant 1 : i32
    scf.for %scan3A_6 = %scan3A_1 to %scan3A_3 step %scan3A_4  : i32 {
      %mul3A = arith.constant 16 : i32
      %mul3A_7 = arith.muli %scan3A_6, %mul3A : i32
      %get3A = arith.index_cast %mul3A_7 : i32 to index
      %get3A_8 = tpu.vector_load %arg5[%get3A] {strides = array<i32>} : memref<10112xi32, #tpu.memory_space<vmem>>, vector<16xi32>,
      %shift_right_arithmetic3A = arith.constant 7 : i32
      %shift_right_arithmetic3A_9 = vector.broadcast %shift_right_arithmetic3A : i32 to vector<16xi32>
      %shift_right_arithmetic3A_10 = arith.shrsi %get3A_8, %shift_right_arithmetic3A_9 : vector<16xi32>
      %and3A = arith.constant 127 : i32
      %and3A_11 = vector.broadcast %and3A : i32 to vector<16xi32>
      %and3A_12 = arith.andi %get3A_8, %and3A_11 : vector<16xi32>
      tpu.vector_store_idx %arg6[%shift_right_arithmetic3A_10, %and3A_12], %broadcast_in_dim3A_0 {add = true} : memref<79x128xf32, #tpu.memory_space<vmem>>[vector<16xi32>, vector<16xi32>], vector<16xf32>,
    }
    %scan3A_5 = arith.constant 632 : i32
    "tpu.region"() ({
      %run_scoped3A = tpu.sem_alloc : memref<!tpu.dma_semaphore, #tpu.memory_space<semaphore_mem>>
      %dma_start3A = arith.constant 0 : i32
      %dma_start3A_6 = arith.constant 0 : i32
      %dma_start3A_7 = tpu.memref_slice %arg4[%arg0, %arg1, %dma_start3A, %dma_start3A_6] : memref<2x16x79x128xf32, #tpu.memory_space<hbm>> -> memref<1x1x79x128xf32, #tpu.memory_space<hbm>>
      %dma_start3A_8 = tpu.memref_squeeze %dma_start3A_7 : memref<1x1x79x128xf32, #tpu.memory_space<hbm>> -> memref<79x128xf32, #tpu.memory_space<hbm>>
      %dma_start3A_9 = arith.constant 0 : i32
      %dma_start3A_10 = arith.constant 0 : i32
      %dma_start3A_11 = tpu.memref_slice %arg4[%arg0, %arg1, %dma_start3A_9, %dma_start3A_10] : memref<2x16x79x128xf32, #tpu.memory_space<hbm>> -> memref<1x1x79x128xf32, #tpu.memory_space<hbm>>
      %dma_start3A_12 = tpu.memref_squeeze %dma_start3A_11 : memref<1x1x79x128xf32, #tpu.memory_space<hbm>> -> memref<79x128xf32, #tpu.memory_space<hbm>>
      tpu.enqueue_dma source(%arg6 : memref<79x128xf32, #tpu.memory_space<vmem>>) target(%dma_start3A_12 : memref<79x128xf32, #tpu.memory_space<hbm>>) target_semaphore(%run_scoped3A : memref<!tpu.dma_semaphore, #tpu.memory_space<semaphore_mem>>)
      %dma_wait3A = arith.constant 0 : i32
      %dma_wait3A_13 = arith.constant 0 : i32
      %dma_wait3A_14 = tpu.memref_slice %arg4[%arg0, %arg1, %dma_wait3A, %dma_wait3A_13] : memref<2x16x79x128xf32, #tpu.memory_space<hbm>> -> memref<1x1x79x128xf32, #tpu.memory_space<hbm>>
      %dma_wait3A_15 = tpu.memref_squeeze %dma_wait3A_14 : memref<1x1x79x128xf32, #tpu.memory_space<hbm>> -> memref<79x128xf32, #tpu.memory_space<hbm>>
      %dma_wait3A_16 = arith.constant 0 : i32
      %dma_wait3A_17 = arith.constant 0 : i32
      %dma_wait3A_18 = tpu.memref_slice %arg4[%arg0, %arg1, %dma_wait3A_16, %dma_wait3A_17] : memref<2x16x79x128xf32, #tpu.memory_space<hbm>> -> memref<1x1x79x128xf32, #tpu.memory_space<hbm>>
      %dma_wait3A_19 = tpu.memref_squeeze %dma_wait3A_18 : memref<1x1x79x128xf32, #tpu.memory_space<hbm>> -> memref<79x128xf32, #tpu.memory_space<hbm>>
      tpu.wait_dma2 semaphore(%run_scoped3A : memref<!tpu.dma_semaphore, #tpu.memory_space<semaphore_mem>>) src(%arg6 : memref<79x128xf32, #tpu.memory_space<vmem>>) dst(%dma_wait3A_19 : memref<79x128xf32, #tpu.memory_space<hbm>>)
      tpu.yield
    }) : () -> ()
    return
  }
}

#map = affine_map<(d0, d1) -> (0, 0, 0)>
#map1 = affine_map<(d0, d1) -> (0, 0, 0, 0)>
#map2 = affine_map<(d0, d1) -> (0, 0)>
module attributes {stable_mosaic.version = 14 : i64} {
  func.func @kbody(%arg0: i32, %arg1: i32, %arg2: memref<2x10000x128xf32, #tpu.memory_space<hbm>>, %arg3: memref<2x16x79x128xi32, #tpu.memory_space<hbm>>, %arg4: memref<2x16x79x128xi32, #tpu.memory_space<hbm>>, %arg5: memref<10112x128xf32, #tpu.memory_space<hbm>>, %arg6: memref<2x10112x128xf32, #tpu.memory_space<hbm>>, %arg7: memref<79x128xi32, #tpu.memory_space<vmem>>, %arg8: memref<79x128xi32, #tpu.memory_space<vmem>>, %arg9: memref<128x128xf32, #tpu.memory_space<vmem>>, %arg10: memref<10112x128xf32, #tpu.memory_space<vmem_shared>>, %arg11: memref<!tpu.dma_semaphore, #tpu.memory_space<semaphore_mem>>) attributes {dimension_semantics = [#tpu.dimension_semantics<core_parallel>, #tpu.dimension_semantics<subcore_parallel>], iteration_bounds = array<i64: 2, 16>, scalar_prefetch = 0 : i64, scratch_operands = 5 : i64, tpu.core_type = #tpu.core_type<sc_vector_subcore>, window_params = [{transform_indices = #map}, {transform_indices = #map1}, {transform_indices = #map1}, {transform_indices = #map2}, {transform_indices = #map}]} {
    %mul3A = arith.constant 632 : i32
    %mul3A_0 = arith.muli %arg1, %mul3A : i32
    "tpu.region"() ({
      %run_scoped3A = tpu.sem_alloc : memref<!tpu.dma_semaphore, #tpu.memory_space<semaphore_mem>>
      %dma_start3A = arith.constant 0 : i32
      %dma_start3A_7 = arith.constant 0 : i32
      %dma_start3A_8 = tpu.memref_slice %arg3[%arg0, %arg1, %dma_start3A, %dma_start3A_7] : memref<2x16x79x128xi32, #tpu.memory_space<hbm>> -> memref<1x1x79x128xi32, #tpu.memory_space<hbm>>
      %dma_start3A_9 = tpu.memref_squeeze %dma_start3A_8 : memref<1x1x79x128xi32, #tpu.memory_space<hbm>> -> memref<79x128xi32, #tpu.memory_space<hbm>>
      %dma_start3A_10 = arith.constant 0 : i32
      %dma_start3A_11 = arith.constant 0 : i32
      %dma_start3A_12 = tpu.memref_slice %arg3[%arg0, %arg1, %dma_start3A_10, %dma_start3A_11] : memref<2x16x79x128xi32, #tpu.memory_space<hbm>> -> memref<1x1x79x128xi32, #tpu.memory_space<hbm>>
      %dma_start3A_13 = tpu.memref_squeeze %dma_start3A_12 : memref<1x1x79x128xi32, #tpu.memory_space<hbm>> -> memref<79x128xi32, #tpu.memory_space<hbm>>
      tpu.enqueue_dma source(%dma_start3A_13 : memref<79x128xi32, #tpu.memory_space<hbm>>) target(%arg7 : memref<79x128xi32, #tpu.memory_space<vmem>>) target_semaphore(%run_scoped3A : memref<!tpu.dma_semaphore, #tpu.memory_space<semaphore_mem>>)
      %dma_wait3A = arith.constant 0 : i32
      %dma_wait3A_14 = arith.constant 0 : i32
      %dma_wait3A_15 = tpu.memref_slice %arg3[%arg0, %arg1, %dma_wait3A, %dma_wait3A_14] : memref<2x16x79x128xi32, #tpu.memory_space<hbm>> -> memref<1x1x79x128xi32, #tpu.memory_space<hbm>>
      %dma_wait3A_16 = tpu.memref_squeeze %dma_wait3A_15 : memref<1x1x79x128xi32, #tpu.memory_space<hbm>> -> memref<79x128xi32, #tpu.memory_space<hbm>>
      %dma_wait3A_17 = arith.constant 0 : i32
      %dma_wait3A_18 = arith.constant 0 : i32
      %dma_wait3A_19 = tpu.memref_slice %arg3[%arg0, %arg1, %dma_wait3A_17, %dma_wait3A_18] : memref<2x16x79x128xi32, #tpu.memory_space<hbm>> -> memref<1x1x79x128xi32, #tpu.memory_space<hbm>>
      %dma_wait3A_20 = tpu.memref_squeeze %dma_wait3A_19 : memref<1x1x79x128xi32, #tpu.memory_space<hbm>> -> memref<79x128xi32, #tpu.memory_space<hbm>>
      tpu.wait_dma2 semaphore(%run_scoped3A : memref<!tpu.dma_semaphore, #tpu.memory_space<semaphore_mem>>) src(%dma_wait3A_20 : memref<79x128xi32, #tpu.memory_space<hbm>>) dst(%arg7 : memref<79x128xi32, #tpu.memory_space<vmem>>)
      tpu.yield
    }) : () -> ()
    "tpu.region"() ({
      %run_scoped3A = tpu.sem_alloc : memref<!tpu.dma_semaphore, #tpu.memory_space<semaphore_mem>>
      %dma_start3A = arith.constant 0 : i32
      %dma_start3A_7 = arith.constant 0 : i32
      %dma_start3A_8 = tpu.memref_slice %arg4[%arg0, %arg1, %dma_start3A, %dma_start3A_7] : memref<2x16x79x128xi32, #tpu.memory_space<hbm>> -> memref<1x1x79x128xi32, #tpu.memory_space<hbm>>
      %dma_start3A_9 = tpu.memref_squeeze %dma_start3A_8 : memref<1x1x79x128xi32, #tpu.memory_space<hbm>> -> memref<79x128xi32, #tpu.memory_space<hbm>>
      %dma_start3A_10 = arith.constant 0 : i32
      %dma_start3A_11 = arith.constant 0 : i32
      %dma_start3A_12 = tpu.memref_slice %arg4[%arg0, %arg1, %dma_start3A_10, %dma_start3A_11] : memref<2x16x79x128xi32, #tpu.memory_space<hbm>> -> memref<1x1x79x128xi32, #tpu.memory_space<hbm>>
      %dma_start3A_13 = tpu.memref_squeeze %dma_start3A_12 : memref<1x1x79x128xi32, #tpu.memory_space<hbm>> -> memref<79x128xi32, #tpu.memory_space<hbm>>
      tpu.enqueue_dma source(%dma_start3A_13 : memref<79x128xi32, #tpu.memory_space<hbm>>) target(%arg8 : memref<79x128xi32, #tpu.memory_space<vmem>>) target_semaphore(%run_scoped3A : memref<!tpu.dma_semaphore, #tpu.memory_space<semaphore_mem>>)
      %dma_wait3A = arith.constant 0 : i32
      %dma_wait3A_14 = arith.constant 0 : i32
      %dma_wait3A_15 = tpu.memref_slice %arg4[%arg0, %arg1, %dma_wait3A, %dma_wait3A_14] : memref<2x16x79x128xi32, #tpu.memory_space<hbm>> -> memref<1x1x79x128xi32, #tpu.memory_space<hbm>>
      %dma_wait3A_16 = tpu.memref_squeeze %dma_wait3A_15 : memref<1x1x79x128xi32, #tpu.memory_space<hbm>> -> memref<79x128xi32, #tpu.memory_space<hbm>>
      %dma_wait3A_17 = arith.constant 0 : i32
      %dma_wait3A_18 = arith.constant 0 : i32
      %dma_wait3A_19 = tpu.memref_slice %arg4[%arg0, %arg1, %dma_wait3A_17, %dma_wait3A_18] : memref<2x16x79x128xi32, #tpu.memory_space<hbm>> -> memref<1x1x79x128xi32, #tpu.memory_space<hbm>>
      %dma_wait3A_20 = tpu.memref_squeeze %dma_wait3A_19 : memref<1x1x79x128xi32, #tpu.memory_space<hbm>> -> memref<79x128xi32, #tpu.memory_space<hbm>>
      tpu.wait_dma2 semaphore(%run_scoped3A : memref<!tpu.dma_semaphore, #tpu.memory_space<semaphore_mem>>) src(%dma_wait3A_20 : memref<79x128xi32, #tpu.memory_space<hbm>>) dst(%arg8 : memref<79x128xi32, #tpu.memory_space<vmem>>)
      tpu.yield
    }) : () -> ()
    "tpu.region"() ({
      %run_scoped3A = tpu.sem_alloc : memref<!tpu.dma_semaphore, #tpu.memory_space<semaphore_mem>>
      %dma_start3A = arith.constant 0 : i32
      %dma_start3A_7 = tpu.memref_slice %arg10[%mul3A_0, %dma_start3A] : memref<10112x128xf32, #tpu.memory_space<vmem_shared>> -> memref<632x128xf32, #tpu.memory_space<vmem_shared>>
      %dma_start3A_8 = arith.constant 0 : i32
      %dma_start3A_9 = tpu.memref_slice %arg5[%mul3A_0, %dma_start3A_8] : memref<10112x128xf32, #tpu.memory_space<hbm>> -> memref<632x128xf32, #tpu.memory_space<hbm>>
      tpu.enqueue_dma source(%dma_start3A_9 : memref<632x128xf32, #tpu.memory_space<hbm>>) target(%dma_start3A_7 : memref<632x128xf32, #tpu.memory_space<vmem_shared>>) target_semaphore(%run_scoped3A : memref<!tpu.dma_semaphore, #tpu.memory_space<semaphore_mem>>)
      %dma_wait3A = arith.constant 0 : i32
      %dma_wait3A_10 = tpu.memref_slice %arg10[%mul3A_0, %dma_wait3A] : memref<10112x128xf32, #tpu.memory_space<vmem_shared>> -> memref<632x128xf32, #tpu.memory_space<vmem_shared>>
      %dma_wait3A_11 = arith.constant 0 : i32
      %dma_wait3A_12 = tpu.memref_slice %arg5[%mul3A_0, %dma_wait3A_11] : memref<10112x128xf32, #tpu.memory_space<hbm>> -> memref<632x128xf32, #tpu.memory_space<hbm>>
      tpu.wait_dma2 semaphore(%run_scoped3A : memref<!tpu.dma_semaphore, #tpu.memory_space<semaphore_mem>>) src(%dma_wait3A_12 : memref<632x128xf32, #tpu.memory_space<hbm>>) dst(%dma_wait3A_10 : memref<632x128xf32, #tpu.memory_space<vmem_shared>>)
      tpu.yield
    }) : () -> ()
    %barrier3A = arith.constant 0 : index
    tpu.barrier barrier_id(%barrier3A)
    %scan3A = arith.constant 0 : i32
    %scan3A_1 = arith.constant 0 : i32
    %scan3A_2 = arith.constant 79 : i32
    %scan3A_3 = arith.addi %scan3A_1, %scan3A_2 : i32
    %scan3A_4 = arith.constant 1 : i32
    scf.for %scan3A_7 = %scan3A_1 to %scan3A_3 step %scan3A_4  : i32 {
      %dma_start3A = arith.constant 0 : i32
      %dma_start3A_8 = tpu.memref_slice %arg7[%scan3A_7, %dma_start3A] : memref<79x128xi32, #tpu.memory_space<vmem>> -> memref<1x128xi32, #tpu.memory_space<vmem>>
      %dma_start3A_9 = tpu.memref_squeeze %dma_start3A_8 : memref<1x128xi32, #tpu.memory_space<vmem>> -> memref<128xi32, #tpu.memory_space<vmem>>
      %dma_start3A_10 = arith.constant 0 : i32
      %dma_start3A_11 = arith.constant 0 : i32
      %dma_start3A_12 = tpu.memref_slice %arg2[%arg0, %dma_start3A_10, %dma_start3A_11] : memref<2x10000x128xf32, #tpu.memory_space<hbm>> -> memref<1x10000x128xf32, #tpu.memory_space<hbm>>
      %dma_start3A_13 = tpu.memref_squeeze %dma_start3A_12 : memref<1x10000x128xf32, #tpu.memory_space<hbm>> -> memref<10000x128xf32, #tpu.memory_space<hbm>>
      %dma_start3A_14 = arith.constant 0 : i32
      %dma_start3A_15 = arith.constant 0 : i32
      %dma_start3A_16 = tpu.memref_slice %dma_start3A_13[%dma_start3A_14, %dma_start3A_15] : memref<10000x128xf32, #tpu.memory_space<hbm>> -> memref<10000x128xf32, #tpu.memory_space<hbm>>
      tpu.enqueue_indirect_dma source(%dma_start3A_16 : memref<10000x128xf32, #tpu.memory_space<hbm>>) target(%arg9 : memref<128x128xf32, #tpu.memory_space<vmem>>) offsets(%dma_start3A_9 : memref<128xi32, #tpu.memory_space<vmem>>) semaphore(%arg11 : memref<!tpu.dma_semaphore, #tpu.memory_space<semaphore_mem>>)
      %dma_wait3A = arith.constant 0 : i32
      %dma_wait3A_17 = tpu.memref_slice %arg7[%scan3A_7, %dma_wait3A] : memref<79x128xi32, #tpu.memory_space<vmem>> -> memref<1x128xi32, #tpu.memory_space<vmem>>
      %dma_wait3A_18 = tpu.memref_squeeze %dma_wait3A_17 : memref<1x128xi32, #tpu.memory_space<vmem>> -> memref<128xi32, #tpu.memory_space<vmem>>
      %dma_wait3A_19 = arith.constant 0 : i32
      %dma_wait3A_20 = arith.constant 0 : i32
      %dma_wait3A_21 = tpu.memref_slice %arg2[%arg0, %dma_wait3A_19, %dma_wait3A_20] : memref<2x10000x128xf32, #tpu.memory_space<hbm>> -> memref<1x10000x128xf32, #tpu.memory_space<hbm>>
      %dma_wait3A_22 = tpu.memref_squeeze %dma_wait3A_21 : memref<1x10000x128xf32, #tpu.memory_space<hbm>> -> memref<10000x128xf32, #tpu.memory_space<hbm>>
      %dma_wait3A_23 = arith.constant 0 : i32
      %dma_wait3A_24 = arith.constant 0 : i32
      %dma_wait3A_25 = tpu.memref_slice %dma_wait3A_22[%dma_wait3A_23, %dma_wait3A_24] : memref<10000x128xf32, #tpu.memory_space<hbm>> -> memref<10000x128xf32, #tpu.memory_space<hbm>>
      tpu.wait_indirect_dma semaphore(%arg11 : memref<!tpu.dma_semaphore, #tpu.memory_space<semaphore_mem>>) src(%dma_wait3A_25 : memref<10000x128xf32, #tpu.memory_space<hbm>>) dst(%arg9 : memref<128x128xf32, #tpu.memory_space<vmem>>)
      "tpu.region"() ({
        %run_scoped3A = tpu.sem_alloc : memref<!tpu.dma_semaphore, #tpu.memory_space<semaphore_mem>>
        %dma_start3A_26 = arith.constant 0 : i32
        %dma_start3A_27 = tpu.memref_slice %arg8[%scan3A_7, %dma_start3A_26] : memref<79x128xi32, #tpu.memory_space<vmem>> -> memref<1x128xi32, #tpu.memory_space<vmem>>
        %dma_start3A_28 = tpu.memref_squeeze %dma_start3A_27 : memref<1x128xi32, #tpu.memory_space<vmem>> -> memref<128xi32, #tpu.memory_space<vmem>>
        %dma_start3A_29 = arith.constant 0 : i32
        %dma_start3A_30 = arith.constant 0 : i32
        %dma_start3A_31 = tpu.memref_slice %arg10[%dma_start3A_29, %dma_start3A_30] : memref<10112x128xf32, #tpu.memory_space<vmem_shared>> -> memref<10112x128xf32, #tpu.memory_space<vmem_shared>>
        tpu.enqueue_indirect_dma source(%arg9 : memref<128x128xf32, #tpu.memory_space<vmem>>) target(%dma_start3A_31 : memref<10112x128xf32, #tpu.memory_space<vmem_shared>>) offsets(%dma_start3A_28 : memref<128xi32, #tpu.memory_space<vmem>>) semaphore(%run_scoped3A : memref<!tpu.dma_semaphore, #tpu.memory_space<semaphore_mem>>) {add = true}
        %dma_wait3A_32 = arith.constant 0 : i32
        %dma_wait3A_33 = tpu.memref_slice %arg8[%scan3A_7, %dma_wait3A_32] : memref<79x128xi32, #tpu.memory_space<vmem>> -> memref<1x128xi32, #tpu.memory_space<vmem>>
        %dma_wait3A_34 = tpu.memref_squeeze %dma_wait3A_33 : memref<1x128xi32, #tpu.memory_space<vmem>> -> memref<128xi32, #tpu.memory_space<vmem>>
        %dma_wait3A_35 = arith.constant 0 : i32
        %dma_wait3A_36 = arith.constant 0 : i32
        %dma_wait3A_37 = tpu.memref_slice %arg10[%dma_wait3A_35, %dma_wait3A_36] : memref<10112x128xf32, #tpu.memory_space<vmem_shared>> -> memref<10112x128xf32, #tpu.memory_space<vmem_shared>>
        tpu.wait_indirect_dma semaphore(%run_scoped3A : memref<!tpu.dma_semaphore, #tpu.memory_space<semaphore_mem>>) src(%arg9 : memref<128x128xf32, #tpu.memory_space<vmem>>) dst(%dma_wait3A_37 : memref<10112x128xf32, #tpu.memory_space<vmem_shared>>)
        tpu.yield
      }) : () -> ()
    }
    %scan3A_5 = arith.constant 79 : i32
    %barrier3A_6 = arith.constant 0 : index
    tpu.barrier barrier_id(%barrier3A_6)
    "tpu.region"() ({
      %run_scoped3A = tpu.sem_alloc : memref<!tpu.dma_semaphore, #tpu.memory_space<semaphore_mem>>
      %dma_start3A = arith.constant 0 : i32
      %dma_start3A_7 = tpu.memref_slice %arg6[%arg0, %mul3A_0, %dma_start3A] : memref<2x10112x128xf32, #tpu.memory_space<hbm>> -> memref<1x632x128xf32, #tpu.memory_space<hbm>>
      %dma_start3A_8 = tpu.memref_squeeze %dma_start3A_7 : memref<1x632x128xf32, #tpu.memory_space<hbm>> -> memref<632x128xf32, #tpu.memory_space<hbm>>
      %dma_start3A_9 = arith.constant 0 : i32
      %dma_start3A_10 = tpu.memref_slice %arg10[%mul3A_0, %dma_start3A_9] : memref<10112x128xf32, #tpu.memory_space<vmem_shared>> -> memref<632x128xf32, #tpu.memory_space<vmem_shared>>
      tpu.enqueue_dma source(%dma_start3A_10 : memref<632x128xf32, #tpu.memory_space<vmem_shared>>) target(%dma_start3A_8 : memref<632x128xf32, #tpu.memory_space<hbm>>) target_semaphore(%run_scoped3A : memref<!tpu.dma_semaphore, #tpu.memory_space<semaphore_mem>>)
      %dma_wait3A = arith.constant 0 : i32
      %dma_wait3A_11 = tpu.memref_slice %arg6[%arg0, %mul3A_0, %dma_wait3A] : memref<2x10112x128xf32, #tpu.memory_space<hbm>> -> memref<1x632x128xf32, #tpu.memory_space<hbm>>
      %dma_wait3A_12 = tpu.memref_squeeze %dma_wait3A_11 : memref<1x632x128xf32, #tpu.memory_space<hbm>> -> memref<632x128xf32, #tpu.memory_space<hbm>>
      %dma_wait3A_13 = arith.constant 0 : i32
      %dma_wait3A_14 = tpu.memref_slice %arg10[%mul3A_0, %dma_wait3A_13] : memref<10112x128xf32, #tpu.memory_space<vmem_shared>> -> memref<632x128xf32, #tpu.memory_space<vmem_shared>>
      tpu.wait_dma2 semaphore(%run_scoped3A : memref<!tpu.dma_semaphore, #tpu.memory_space<semaphore_mem>>) src(%dma_wait3A_14 : memref<632x128xf32, #tpu.memory_space<vmem_shared>>) dst(%dma_wait3A_12 : memref<632x128xf32, #tpu.memory_space<hbm>>)
      tpu.yield
    }) : () -> ()
    return
  }
}

module attributes {stable_mosaic.version = 14 : i64} {
  func.func @body(%arg0: i32, %arg1: memref<1x10112x128xf32, #tpu.memory_space<vmem>>, %arg2: memref<1x16x79x128xf32, #tpu.memory_space<vmem>>, %arg3: memref<1x10000x128xf32, #tpu.memory_space<vmem>>, %arg4: memref<1x128x128xf32, #tpu.memory_space<vmem>>, %arg5: memref<1x1x128xf32, #tpu.memory_space<vmem>>, %arg6: memref<1x128x128xf32, #tpu.memory_space<vmem>>, %arg7: memref<1x1x128xf32, #tpu.memory_space<vmem>>, %arg8: memref<1x1x128xf32, #tpu.memory_space<vmem>>, %arg9: memref<1x10000x128xf32, #tpu.memory_space<vmem>>) attributes {dimension_semantics = [#tpu.dimension_semantics<arbitrary>], iteration_bounds = array<i64: 2>, scalar_prefetch = 0 : i64, scratch_operands = 0 : i64, tpu.core_type = #tpu.core_type<tc>, window_params = [{transform_indices = @transform_0, window_bounds = array<i64: 1, 10112, 128>}, {transform_indices = @transform_1, window_bounds = array<i64: 1, 16, 79, 128>}, {transform_indices = @transform_2, window_bounds = array<i64: 1, 10000, 128>}, {transform_indices = @transform_3, window_bounds = array<i64: 1, 128, 128>}, {transform_indices = @transform_4, window_bounds = array<i64: 1, 1, 128>}, {transform_indices = @transform_5, window_bounds = array<i64: 1, 128, 128>}, {transform_indices = @transform_6, window_bounds = array<i64: 1, 1, 128>}, {transform_indices = @transform_7, window_bounds = array<i64: 1, 1, 128>}, {transform_indices = @transform_8, window_bounds = array<i64: 1, 10000, 128>}]} {
    %get3A = arith.constant 0 : index
    %get3A_0 = arith.constant 0 : index
    %get3A_1 = arith.constant 0 : index
    %get3A_2 = vector.load %arg1[%get3A, %get3A_0, %get3A_1] : memref<1x10112x128xf32, #tpu.memory_space<vmem>>, vector<1x10112x128xf32>
    %get3A_3 = vector.shape_cast %get3A_2 : vector<1x10112x128xf32> to vector<10112x128xf32>
    %reshape3A = vector.shape_cast %get3A_3 : vector<10112x128xf32> to vector<79x128x128xf32>
    %get3A_4 = arith.constant 0 : index
    %get3A_5 = arith.constant 0 : index
    %get3A_6 = arith.constant 0 : index
    %get3A_7 = arith.constant 0 : index
    %get3A_8 = vector.load %arg2[%get3A_4, %get3A_5, %get3A_6, %get3A_7] : memref<1x16x79x128xf32, #tpu.memory_space<vmem>>, vector<1x16x79x128xf32>
    %get3A_9 = vector.shape_cast %get3A_8 : vector<1x16x79x128xf32> to vector<16x79x128xf32>
    %reduce_sum3A = arith.constant dense<0.000000e+00> : vector<79x128xf32>
    %reduce_sum3A_10 = vector.multi_reduction <add>, %get3A_9, %reduce_sum3A [0] : vector<16x79x128xf32> to vector<79x128xf32>
    %max3A = arith.constant 1.000000e+00 : f32
    %max3A_11 = vector.broadcast %max3A : f32 to vector<79x128xf32>
    %max3A_12 = arith.maximumf %reduce_sum3A_10, %max3A_11 : vector<79x128xf32>
    %div3A = arith.constant 1.000000e+00 : f32
    %div3A_13 = vector.broadcast %div3A : f32 to vector<79x128xf32>
    %div3A_14 = arith.divf %div3A_13, %max3A_12 : vector<79x128xf32>
    %broadcast_in_dim3A = vector.shape_cast %div3A_14 : vector<79x128xf32> to vector<79x128x1xf32>
    %mul3A = vector.broadcast %broadcast_in_dim3A : vector<79x128x1xf32> to vector<79x128x128xf32>
    %mul3A_15 = arith.mulf %reshape3A, %mul3A : vector<79x128x128xf32>
    %reshape3A_16 = vector.shape_cast %mul3A_15 : vector<79x128x128xf32> to vector<10112x128xf32>
    %slice3A = vector.extract_strided_slice %reshape3A_16 {offsets = [0, 0], sizes = [10000, 128], strides = [1, 1]} : vector<10112x128xf32> to vector<10000x128xf32>
    %get3A_17 = arith.constant 0 : index
    %get3A_18 = arith.constant 0 : index
    %get3A_19 = arith.constant 0 : index
    %get3A_20 = vector.load %arg4[%get3A_17, %get3A_18, %get3A_19] : memref<1x128x128xf32, #tpu.memory_space<vmem>>, vector<1x128x128xf32>
    %get3A_21 = vector.shape_cast %get3A_20 : vector<1x128x128xf32> to vector<128x128xf32>
    %dot_general3A = arith.constant dense<0.000000e+00> : vector<10000x128xf32>
    %dot_general3A_22 = tpu.matmul %slice3A, %get3A_21, %dot_general3A {dimension_numbers = #tpu.dot_dimension_numbers<[1], [0], [0], [1], [0, 0, 1, 1], [], []>, transpose_lhs_hint = false} : vector<10000x128xf32>, vector<128x128xf32>, vector<10000x128xf32> -> vector<10000x128xf32>
    %get3A_23 = arith.constant 0 : index
    %get3A_24 = arith.constant 0 : index
    %get3A_25 = arith.constant 0 : index
    %get3A_26 = vector.load %arg5[%get3A_23, %get3A_24, %get3A_25] : memref<1x1x128xf32, #tpu.memory_space<vmem>>, vector<1x1x128xf32>
    %get3A_27 = vector.shape_cast %get3A_26 : vector<1x1x128xf32> to vector<1x128xf32>
    %add3A = vector.broadcast %get3A_27 : vector<1x128xf32> to vector<10000x128xf32>
    %add3A_28 = arith.addf %dot_general3A_22, %add3A : vector<10000x128xf32>
    %get3A_29 = arith.constant 0 : index
    %get3A_30 = arith.constant 0 : index
    %get3A_31 = arith.constant 0 : index
    %get3A_32 = vector.load %arg3[%get3A_29, %get3A_30, %get3A_31] : memref<1x10000x128xf32, #tpu.memory_space<vmem>>, vector<1x10000x128xf32>
    %get3A_33 = vector.shape_cast %get3A_32 : vector<1x10000x128xf32> to vector<10000x128xf32>
    %get3A_34 = arith.constant 0 : index
    %get3A_35 = arith.constant 0 : index
    %get3A_36 = arith.constant 0 : index
    %get3A_37 = vector.load %arg6[%get3A_34, %get3A_35, %get3A_36] : memref<1x128x128xf32, #tpu.memory_space<vmem>>, vector<1x128x128xf32>
    %get3A_38 = vector.shape_cast %get3A_37 : vector<1x128x128xf32> to vector<128x128xf32>
    %dot_general3A_39 = arith.constant dense<0.000000e+00> : vector<10000x128xf32>
    %dot_general3A_40 = tpu.matmul %get3A_33, %get3A_38, %dot_general3A_39 {dimension_numbers = #tpu.dot_dimension_numbers<[1], [0], [0], [1], [0, 0, 1, 1], [], []>, transpose_lhs_hint = false} : vector<10000x128xf32>, vector<128x128xf32>, vector<10000x128xf32> -> vector<10000x128xf32>
    %add3A_41 = arith.addf %add3A_28, %dot_general3A_40 : vector<10000x128xf32>
    %reduce_sum3A_42 = arith.constant dense<0.000000e+00> : vector<10000xf32>
    %reduce_sum3A_43 = vector.multi_reduction <add>, %add3A_41, %reduce_sum3A_42 [1] : vector<10000x128xf32> to vector<10000xf32>
    %broadcast_in_dim3A_44 = vector.shape_cast %reduce_sum3A_43 : vector<10000xf32> to vector<10000x1xf32>
    %div3A_45 = arith.constant 1.280000e+02 : f32
    %div3A_46 = vector.broadcast %div3A_45 : f32 to vector<10000x1xf32>
    %div3A_47 = arith.divf %broadcast_in_dim3A_44, %div3A_46 : vector<10000x1xf32>
    %sub3A = vector.broadcast %div3A_47 : vector<10000x1xf32> to vector<10000x128xf32>
    %sub3A_48 = arith.subf %add3A_41, %sub3A : vector<10000x128xf32>
    %square3A = arith.mulf %sub3A_48, %sub3A_48 : vector<10000x128xf32>
    %reduce_sum3A_49 = arith.constant dense<0.000000e+00> : vector<10000xf32>
    %reduce_sum3A_50 = vector.multi_reduction <add>, %square3A, %reduce_sum3A_49 [1] : vector<10000x128xf32> to vector<10000xf32>
    %broadcast_in_dim3A_51 = vector.shape_cast %reduce_sum3A_50 : vector<10000xf32> to vector<10000x1xf32>
    %div3A_52 = arith.constant 1.280000e+02 : f32
    %div3A_53 = vector.broadcast %div3A_52 : f32 to vector<10000x1xf32>
    %div3A_54 = arith.divf %broadcast_in_dim3A_51, %div3A_53 : vector<10000x1xf32>
    %sub3A_55 = vector.broadcast %div3A_47 : vector<10000x1xf32> to vector<10000x128xf32>
    %sub3A_56 = arith.subf %add3A_41, %sub3A_55 : vector<10000x128xf32>
    %add3A_57 = arith.constant 9.99999974E-6 : f32
    %add3A_58 = vector.broadcast %add3A_57 : f32 to vector<10000x1xf32>
    %add3A_59 = arith.addf %div3A_54, %add3A_58 : vector<10000x1xf32>
    %rsqrt3A = math.rsqrt %add3A_59 : vector<10000x1xf32>
    %mul3A_60 = vector.broadcast %rsqrt3A : vector<10000x1xf32> to vector<10000x128xf32>
    %mul3A_61 = arith.mulf %sub3A_56, %mul3A_60 : vector<10000x128xf32>
    %get3A_62 = arith.constant 0 : index
    %get3A_63 = arith.constant 0 : index
    %get3A_64 = arith.constant 0 : index
    %get3A_65 = vector.load %arg7[%get3A_62, %get3A_63, %get3A_64] : memref<1x1x128xf32, #tpu.memory_space<vmem>>, vector<1x1x128xf32>
    %get3A_66 = vector.shape_cast %get3A_65 : vector<1x1x128xf32> to vector<1x128xf32>
    %mul3A_67 = vector.broadcast %get3A_66 : vector<1x128xf32> to vector<10000x128xf32>
    %mul3A_68 = arith.mulf %mul3A_61, %mul3A_67 : vector<10000x128xf32>
    %get3A_69 = arith.constant 0 : index
    %get3A_70 = arith.constant 0 : index
    %get3A_71 = arith.constant 0 : index
    %get3A_72 = vector.load %arg8[%get3A_69, %get3A_70, %get3A_71] : memref<1x1x128xf32, #tpu.memory_space<vmem>>, vector<1x1x128xf32>
    %get3A_73 = vector.shape_cast %get3A_72 : vector<1x1x128xf32> to vector<1x128xf32>
    %add3A_74 = vector.broadcast %get3A_73 : vector<1x128xf32> to vector<10000x128xf32>
    %add3A_75 = arith.addf %mul3A_68, %add3A_74 : vector<10000x128xf32>
    %max3A_76 = arith.constant 0.000000e+00 : f32
    %max3A_77 = vector.broadcast %max3A_76 : f32 to vector<10000x128xf32>
    %max3A_78 = arith.maximumf %add3A_75, %max3A_77 : vector<10000x128xf32>
    %swap3A = arith.constant 0 : index
    %swap3A_79 = arith.constant 0 : index
    %swap3A_80 = arith.constant 0 : index
    %swap3A_81 = vector.load %arg9[%swap3A, %swap3A_79, %swap3A_80] : memref<1x10000x128xf32, #tpu.memory_space<vmem>>, vector<1x10000x128xf32>
    %swap3A_82 = vector.shape_cast %swap3A_81 : vector<1x10000x128xf32> to vector<10000x128xf32>
    %swap3A_83 = vector.shape_cast %max3A_78 : vector<10000x128xf32> to vector<1x10000x128xf32>
    tpu.vector_store %arg9[%swap3A, %swap3A_79, %swap3A_80], %swap3A_83 {strides = array<i32>} : memref<1x10000x128xf32, #tpu.memory_space<vmem>>, vector<1x10000x128xf32>,
    return
  }
  func.func @transform_0(%arg0: i32) -> (i32, i32, i32) {
    %c0_i32 = arith.constant 0 : i32
    %c0_i32_0 = arith.constant 0 : i32
    %c0_i32_1 = arith.constant 0 : i32
    return %arg0, %c0_i32, %c0_i32_0 : i32, i32, i32
  }
  func.func @transform_1(%arg0: i32) -> (i32, i32, i32, i32) {
    %c0_i32 = arith.constant 0 : i32
    %c0_i32_0 = arith.constant 0 : i32
    %c0_i32_1 = arith.constant 0 : i32
    %c0_i32_2 = arith.constant 0 : i32
    return %arg0, %c0_i32, %c0_i32_0, %c0_i32_1 : i32, i32, i32, i32
  }
  func.func @transform_2(%arg0: i32) -> (i32, i32, i32) {
    %c0_i32 = arith.constant 0 : i32
    %c0_i32_0 = arith.constant 0 : i32
    %c0_i32_1 = arith.constant 0 : i32
    return %arg0, %c0_i32, %c0_i32_0 : i32, i32, i32
  }
  func.func @transform_3(%arg0: i32) -> (i32, i32, i32) {
    %c0_i32 = arith.constant 0 : i32
    %c0_i32_0 = arith.constant 0 : i32
    %c0_i32_1 = arith.constant 0 : i32
    return %arg0, %c0_i32, %c0_i32_0 : i32, i32, i32
  }
  func.func @transform_4(%arg0: i32) -> (i32, i32, i32) {
    %c0_i32 = arith.constant 0 : i32
    %c0_i32_0 = arith.constant 0 : i32
    %c0_i32_1 = arith.constant 0 : i32
    return %arg0, %c0_i32, %c0_i32_0 : i32, i32, i32
  }
  func.func @transform_5(%arg0: i32) -> (i32, i32, i32) {
    %c0_i32 = arith.constant 0 : i32
    %c0_i32_0 = arith.constant 0 : i32
    %c0_i32_1 = arith.constant 0 : i32
    return %arg0, %c0_i32, %c0_i32_0 : i32, i32, i32
  }
  func.func @transform_6(%arg0: i32) -> (i32, i32, i32) {
    %c0_i32 = arith.constant 0 : i32
    %c0_i32_0 = arith.constant 0 : i32
    %c0_i32_1 = arith.constant 0 : i32
    return %arg0, %c0_i32, %c0_i32_0 : i32, i32, i32
  }
  func.func @transform_7(%arg0: i32) -> (i32, i32, i32) {
    %c0_i32 = arith.constant 0 : i32
    %c0_i32_0 = arith.constant 0 : i32
    %c0_i32_1 = arith.constant 0 : i32
    return %arg0, %c0_i32, %c0_i32_0 : i32, i32, i32
  }
  func.func @transform_8(%arg0: i32) -> (i32, i32, i32) {
    %c0_i32 = arith.constant 0 : i32
    %c0_i32_0 = arith.constant 0 : i32
    %c0_i32_1 = arith.constant 0 : i32
    return %arg0, %c0_i32, %c0_i32_0 : i32, i32, i32
  }
}

</mosaic_0001>

<sc_bundles>
// kernel: kernel.10.cloned.1.call-start
scs
__scs_entry_jumppad:
0x0: {  	(pc) =	sbr.rel $0x88, $3  }
0x1: {  	(tag) =	ssettag $0x0;
	lr =	simm.s32 $0x1  }
0x2: {  	[smem:$0x3F89] =	sst lr;
	_ =	strace $0xD0000000  }
0x3: {  	_ = 	snop  }
0x4: {  	_ = 	snop  }
0x5: {  	_ = 	snop  }
0x6: {  	_ = 	snop  }
0x7: {  	_ = 	snop  }
__scs_overlays_trampoline_lowered:
0x8: {  	[smem:$0x3F98] =	sst s0  }
0x9: {  	[smem:$0x3F99] =	sst s1  }
0xa: {  	[smem:$0x3F9A] =	sst s2  }
0xb: {  	[smem:$0x3F9B] =	sst s3  }
0xc: {  	[smem:$0x3F9C] =	sst s4  }
0xd: {  	[smem:$0x3F9D] =	sst s5  }
0xe: {  	[smem:$0x3F9E] =	sst s6  }
0xf: {  	[smem:$0x3F9F] =	sst s7  }
0x10: {  	[smem:$0x3FA0] =	sst s8  }
0x11: {  	[smem:$0x3FA1] =	sst s9;
	s0 =	simm.s32 @!p0 $0x0  }
0x12: {  	s1 =	sld [smem:$0x3F87];
	s0 =	simm.s32 @p0 $0x1  }
0x13: {  	[smem:$0x3FA2] =	sst s0;
	s0 =	simm.s32 @!p1 $0x0  }
0x14: {  	s2 =	sld [smem:$0x3F86];
	s0 =	simm.s32 @p1 $0x1  }
0x15: {  	[smem:$0x3FA3] =	sst s0;
	s0 =	simm.s32 @!p2 $0x0  }
0x16: {  	s3 =	sld [smem:$0x3FDB];
	s0 =	simm.s32 @p2 $0x1  }
0x17: {  	s4 =	simm.s32 $0x1BF5;
	[smem:$0x3FA5] =	sst s0  }
0x18: {  	s0 =	sld [smem:$0x3F88];
	_ =	swait.ge [sflag:s4], $0x0  }
0x19: {  	s7 =	sld [smem:$0x3F89]  }
0x1a: {  	s8 =	sadd.s32 $0xFFFFE003, lr  }
0x1b: {  	s9 =	sadd.s32 $0xFFFFFEF7, lr;
	s5 =	simm.s32 $0xFFFFFFFF;
	p2 =	slt.u32 s8, $0xFFFFF086  }
0x1c: {  	p1 =	slt.u32 s9, $0xF7A;
	s5 =	simm.s32 @!p2 $0x0  }
0x1d: {  	s5 =	simm.s32 @p1 $0x1;
	p0 =	seq.s32 s7, s2  }
0x1e: {  	s7 =	smul.u32 @!p0 $0xF7A, s2;
	p2 =	seq.s32 @!p0 s5, $0x0  }
0x1f: {  	s9 =	smul.u32 $0xF7A, s1;
	s8 =	simm.s32 @!p0 $0x1BF5;
	p2 =	por !p2, p0  }
0x20: {  	[sflag:s8] =	ssyncset.s32 @!p0 $0xFFFFF086;
	s6 =	sadd.s32 @!p0 s3, s7;
	s7 =	simm.s32 @!p0 $0x108  }
0x21: {  	s3 =	sadd.s32 s3, s9;
	s6 =	sadd.s32 @!p0 $0x88, s6;
	s7 =	simm.s32 @p2 $0x1082  }
0x22: {  	[simem:s7], [sflag:s8] =	dma.local @!p0 [hbm:s6], $0xF7A  }
0x23: {  	s9 =	sor.u32 $0xD0000000, s2;
	s6 =	simm.s32 $0x108;
	_ =	swait.ge @!p0 [sflag:s8], $0x0  }
0x24: {  	s3 =	sadd.s32 $0x88, s3;
	s6 =	simm.s32 @!p1 $0x1082;
	[sflag:s4] =	ssyncset.s32 $0xFFFFF086  }
0x25: {  	[simem:s6], [sflag:s4] =	dma.local [hbm:s3], $0xF7A  }
0x26: {  	[smem:$0x3F89] =	sst s1;
	(tag) =	ssettag s2;
	_ =	strace s9  }
0x27: {  	s1 =	sld [smem:$0x3F99]  }
0x28: {  	s2 =	sld [smem:$0x3F9A]  }
0x29: {  	s4 =	sld [smem:$0x3F9C]  }
0x2a: {  	p0 =	seq.s32 s5, $0x0;
	s5 =	sld [smem:$0x3F9D]  }
0x2b: {  	s6 =	sld [smem:$0x3F9E]  }
0x2c: {  	s7 =	sld [smem:$0x3F9F]  }
0x2d: {  	s3 =	simm.s32 $0x108;
	s8 =	sld [smem:$0x3FA0]  }
0x2e: {  	s3 =	simm.s32 @!p0 $0x1082;
	s9 =	sld [smem:$0x3FA1]  }
0x2f: {  	lr =	sadd.s32 s0, s3;
	s0 =	sld [smem:$0x3F98]  }
0x30: {  	s3 =	sld [smem:$0x3F9B]  }
0x31: {  	[smem:$0x3FA4] =	sst s10  }
0x32: {  	s10 =	sld [smem:$0x3FA2];
	_ =	sdelay $0x3  }
0x33: {  	p0 =	seq.s32 s10, $0x1;
	s10 =	sld [smem:$0x3FA4];
	_ =	sdelay $0x3  }
0x34: {  	[smem:$0x3FA4] =	sst s10  }
0x35: {  	s10 =	sld [smem:$0x3FA3];
	_ =	sdelay $0x3  }
0x36: {  	p1 =	seq.s32 s10, $0x1;
	s10 =	sld [smem:$0x3FA4];
	_ =	sdelay $0x3  }
0x37: {  	[smem:$0x3FA4] =	sst s10  }
0x38: {  	s10 =	sld [smem:$0x3FA5]  }
0x39: {  	_ = 	snop;
	(pc) =	sbr.ind lr, $3  }
0x3a: {  	_ = 	snop  }
0x3b: {  	_ = 	snop  }
0x3c: {  	p2 =	seq.s32 s10, $0x1;
	s10 =	sld [smem:$0x3FA4]  }
0x3d: {  	_ =	shalt  }
0x3e: {  	_ =	shalt  }
0x3f: {  	_ =	shalt  }
0x40: {  	_ =	shalt  }
0x41: {  	_ =	shalt  }
0x42: {  	_ =	shalt  }
0x43: {  	_ =	shalt  }
0x44: {  	_ =	shalt  }
0x45: {  	_ =	shalt  }
0x46: {  	_ =	shalt  }
0x47: {  	_ =	shalt  }
0x48: {  	_ =	shalt  }
0x49: {  	_ =	shalt  }
0x4a: {  	_ =	shalt  }
0x4b: {  	_ =	shalt  }
0x4c: {  	_ =	shalt  }
0x4d: {  	_ =	shalt  }
0x4e: {  	_ =	shalt  }
0x4f: {  	_ =	shalt  }
0x50: {  	_ =	shalt  }
0x51: {  	_ =	shalt  }
0x52: {  	_ =	shalt  }
0x53: {  	_ =	shalt  }
0x54: {  	_ =	shalt  }
0x55: {  	_ =	shalt  }
0x56: {  	_ =	shalt  }
0x57: {  	_ =	shalt  }
0x58: {  	_ =	shalt  }
0x59: {  	_ =	shalt  }
0x5a: {  	_ =	shalt  }
0x5b: {  	_ =	shalt  }
0x5c: {  	_ =	shalt  }
0x5d: {  	_ =	shalt  }
0x5e: {  	_ =	shalt  }
0x5f: {  	_ =	shalt  }
0x60: {  	_ =	shalt  }
0x61: {  	_ =	shalt  }
0x62: {  	_ =	shalt  }
0x63: {  	_ =	shalt  }
0x64: {  	_ =	shalt  }
0x65: {  	_ =	shalt  }
0x66: {  	_ =	shalt  }
0x67: {  	_ =	shalt  }
0x68: {  	_ =	shalt  }
0x69: {  	_ =	shalt  }
0x6a: {  	_ =	shalt  }
0x6b: {  	_ =	shalt  }
0x6c: {  	_ =	shalt  }
0x6d: {  	_ =	shalt  }
0x6e: {  	_ =	shalt  }
0x6f: {  	_ =	shalt  }
0x70: {  	_ =	shalt  }
0x71: {  	_ =	shalt  }
0x72: {  	_ =	shalt  }
0x73: {  	_ =	shalt  }
0x74: {  	_ =	shalt  }
0x75: {  	_ =	shalt  }
0x76: {  	_ =	shalt  }
0x77: {  	_ =	shalt  }
0x78: {  	_ =	shalt  }
0x79: {  	_ =	shalt  }
0x7a: {  	_ =	shalt  }
0x7b: {  	_ =	shalt  }
0x7c: {  	_ =	shalt  }
0x7d: {  	_ =	shalt  }
0x7e: {  	_ =	shalt  }
0x7f: {  	_ =	shalt  }
0x80: {  	_ =	shalt  }
0x81: {  	_ =	shalt  }
0x82: {  	_ =	shalt  }
0x83: {  	_ =	shalt  }
0x84: {  	_ =	shalt  }
0x85: {  	_ =	shalt  }
0x86: {  	_ =	shalt  }
0x87: {  	_ =	shalt  }
.Lfunc_end0:
.L_simem_size_0:
called_computation.1_lowered:
.L_overlay_start_0:
0x88: {  	s2 =	sld [smem:$0x3FD9]  }
0x89: {  	s3 =	sld [smem:$0x3FFE];
	_ =	sdelay $0x1  }
0x8a: {  	s1 =	srdreg.scid  }
0x8b: {  	s0 =	sand.u32 $0x1, s1  }
0x8c: {  	s14 =	sshll.u32 s0, $0xA;
	s2 =	sadd.s32 s3, s2  }
0x8d: {  	s2 =	sadd.s32 s2, s14  }
0x8e: {  	[smem:$0x3FB0] =	sst s2  }
0x8f: {  	_ = 	snop  }
0x90: {  	s2 =	sld [smem:$0x3FD0];
	_ =	sdelay $0x2  }
0x91: {  	s15 =	simm.s32 $0xB;
	s4 =	simm.s32 $0x10  }
0x92: {  	[smem:s4], [sflag:s15] =	dma.local [hbm:s2], $0x1  }
0x93: {  	_ =	swait.eq [sflag:s15], $0x1  }
0x94: {  	[sflag:s15] =	ssyncset.done $0x0  }
0x95: {  	s16 =	sld [smem:$0x10];
	[sflag:s15] =	ssyncadd.s32 $0xFFFFFFFF  }
0x96: {  	s17 =	sld [smem:$0x11];
	(tm) =	ssettm $0x1  }
0x97: {  	s18 =	sld [smem:$0x3FFB];
	_ =	sdelay $0x3  }
0x98: {  	_ =	strace s18  }
0x99: {  	s4 =	sld [smem:$0x3FFC];
	_ =	sdelay $0x3  }
0x9a: {  	_ =	strace s4  }
0x9b: {  	s4 =	sld [smem:$0x3FFD];
	_ =	sdelay $0x3  }
0x9c: {  	_ =	strace s4  }
0x9d: {  	_ =	strace $0x8FFFFFFF  }
0x9e: {  	s19 =	sld [smem:$0x3FDB];
	_ =	sdelay $0x1  }
0x9f: {  	s5 =	simm.s32 $_scs_section_size  }
0xa0: {  	s6 =	simm.s32 $_size__tile_overlayer_lowered;
	s7 =	simm.s32 $_tile_overlayer_lowered  }
0xa1: {  	s22 =	simm.s32 $0x1BFF;
	s21 =	sshll.u32 s7, $0x1;
	s4 =	sadd.s32 s5, s19  }
0xa2: {  	s8 =	simm.s32 $0x0;
	s20 =	sshll.u32 s6, $0x1;
	s6 =	sadd.s32 s21, s4  }
0xa3: {  	[timem:s8], [sflag:s22] =	dma.local [hbm:s6], s20  }
0xa4: {  	_ =	swait.ge [sflag:s22], s20  }
0xa5: {  	s5 =	ssub.s32 $0x0, s20;
	[sflag:s22] =	ssyncset.done $0x0  }
0xa6: {  	[sflag:s22] =	ssyncadd.s32 s5;
	_ =	sdelay $0x1  }
0xa7: {  	s23 =	simm.s32 $0x1B8B  }
0xa8: {  	_ =	swait.ge [sflag:s23], $0x1  }
0xa9: {  	[sflag:s23] =	ssyncset.done $0x0  }
0xaa: {  	s25 =	simm.s32 $0x1B8E;
	s24 =	sld [smem:$0x3FFE];
	[sflag:s23] =	ssyncadd.s32 $0xFFFFFFFF  }
0xab: {  	s26 =	simm.s32 $execute0_lowered;
	[smem:$0x3FD2] =	sst s25  }
0xac: {  	s6 =	sshll.u32 s26, $0x1;
	_ =	strace $0x80000046;
	[dreg:$0x1] =	wrdreg $0xFFFFFFFF  }
0xad: {  	s28 =	simm.s32 $_size_execute0_lowered;
	s4 =	sadd.s32 s4, s6;
	[dreg:$0x0] =	wrdreg $0x0  }
0xae: {  	s6 =	sshll.u32 s28, $0x1;
	[dreg:$0x2] =	wrdreg s4  }
0xaf: {  	[dreg:$0x3] =	wrdreg s6  }
0xb0: {  	[dreg:$0x4] =	wrdreg $0xC0  }
0xb1: {  	_ =	task [dreg:s8], $0x5FFFF  }
0xb2: {  	[dreg:$0x1] =	wrdreg $0xFFFFFFFF  }
0xb3: {  	[dreg:$0x0] =	wrdreg $0x60  }
0xb4: {  	[dreg:$0x2] =	wrdreg s24  }
0xb5: {  	[dreg:$0x3] =	wrdreg s16  }
0xb6: {  	[dreg:$0x4] =	wrdreg s17  }
0xb7: {  	[dreg:$0x5] =	wrdreg $0x90000  }
0xb8: {  	[dreg:$0x6] =	wrdreg $0xA  }
0xb9: {  	_ =	task.clear_ibuf [dreg:s8], $0x7FFFF;
	_ =	strace $0x90000046  }
0xba: {  	s29 =	simm.s32 $0xA;
	_ =	strace $0x80000048  }
0xbb: {  	_ =	swait.ge [sflag:s29], $0x1  }
0xbc: {  	[sflag:s29] =	ssyncadd.s32 $0xFFFFFFFF  }
0xbd: {  	_ =	strace $0x90000048  }
0xbe: {  	_ =	sfence  }
0xbf: {  	s30 =	sld [smem:$0x0];
	_ =	sdelay $0x2  }
0xc0: {  	s31 =	sshll.u32 s1, $0xD;
	s1 =	sshrl.u32 s1, $0x2  }
0xc1: {  	s3 =	sand.u32 $0x4000, s31;
	s1 =	sadd.s32 s1, s30  }
0xc2: {  	s0 =	sor.u32 s3, s0;
	s1 =	sshll.u32 s1, $0x11  }
0xc3: {  	s0 =	sor.u32 s1, s0  }
0xc4: {  	s0 =	sadd.s32 $0x8F2B, s0  }
0xc5: {  	[sflag:s0] =	ssyncadd.remote.s32 $0x1  }
0xc6: {  	_ =	sfence.sel $0xFFFF  }
0xc7: {  	[dreg:$0x0] =	wrdreg $0xFFFFFFFF;
	(pc) =	sbr.abs _section_cstart, $3  }
0xc8: {  	[dreg:$0x1] =	wrdreg $0xFFFFFFFF  }
0xc9: {  	_ =	task.clear_ibuf [dreg:s8], $0x2FFFF;
	_ =	strace $0x9FFFFFFF  }
0xca: {  	(tm) =	ssettm $0x7FFFFFFF  }
0xcb: {  	_ =	shalt  }
tec
execute0_lowered:
.L_overlay_start_1:
0x0: {  	(tag) =	ssettag $0x1  }
0x1: {  	s4 =	rddreg [dreg:$0x0]  }
0x2: {  	s5 =	rddreg [dreg:$0x1]  }
0x3: {  	s6 =	rddreg [dreg:$0x2];
	s1 =	stileid.u32  }
0x4: {  	s0 =	srdreg.scid;
	s9 =	smul.u32 $0x13C00, s1  }
0x5: {  	s2 =	rddreg [dreg:$0x3];
	s3 =	simm.s32 $0x0;
	s26 =	smul.u32 $0x2800, s1  }
0x6: {  	s15 =	simm.s32 $0x5000;
	s7 =	sand.u32 $0x1, s0;
	s28 =	smul.u32 $0x4F000, s1  }
0x7: {  	s16 =	simm.s32 $0x1;
	s0 =	rddreg [dreg:$0x4];
	s8 =	smul.u32 $0x27100, s7  }
0x8: {  	s17 =	simm.s32 $0x0;
	[smem:$0x7FF] =	sst s3;
	s10 =	smul.u32 $0x13C000, s7  }
0x9: {  	s31 =	sshll.u32 s1, $0x6;
	s11 =	smul.u32 $0x28000, s7;
	s7 =	ssub.s32 $0x2, s7  }
0xa: {  	_ =	strace $0x80000047;
	s12 =	sshrl.u32 s9, $0x3;
	s29 =	sshrl.u32 s7, $0x1  }
0xb: {  	s30 =	sshrl.u32 s28, $0x2;
	s9 =	sadd.s32 s9, s10;
	s8 =	sadd.s32 s8, s4  }
0xc: {  	s12 =	sadd.s32 s12, s4;
	s10 =	sadd.s32 s26, s11;
	s13 =	ssub.s32 s7, s29  }
0xd: {  	s14 =	sadd.s32 s30, s2;
	s11 =	simm.s32 $0x2800;
	s9 =	sshrl.u32 s9, $0x3  }
0xe: {  	s10 =	sshrl.u32 s10, $0x3;
	s7 =	sadd.s32 $0x4200, s8;
	s9 =	sadd.s32 s9, s4  }
0xf: {  	s4 =	sadd.s32 s5, s10;
	s5 =	sadd.s32 s6, s10;
	s6 =	sadd.s32 $0x52400, s12  }
0x10: {  	s10 =	simm.s32 $0x2;
	s12 =	sor.u32 $0x1C02, s31;
	s8 =	sadd.s32 $0x79C00, s9  }
0x11: {  	s9 =	smax.u32 s13, $0x1;
	s13 =	sshrl.u32 s14, $0x3;
	s14 =	simm.s32 $0x80  }
.LBB2_1:
0x12: {  	[tilespmem:s3], [sflag:$0x2] =	stream.linear.gather [hbm4b:s4+s3], $0x2780, $0x38;
	[tilespmem:$0x1CC00] =	vst v63  }
0x13: {  	_ =	swait.ge [sflag:s10], $0x2780  }
0x14: {  	[sflag:s10] =	ssyncset.done $0x0  }
0x15: {  	[sflag:s10] =	ssyncadd.s32 $0xFFFFD880  }
0x16: {  	[tilespmem:s11], [sflag:$0x2] =	stream.linear.gather [hbm4b:s5+s3], $0x2780, $0x38;
	[tilespmem:$0x1CC00] =	vst v63  }
0x17: {  	_ =	swait.ge [sflag:s10], $0x2780  }
0x18: {  	[sflag:s10] =	ssyncset.done $0x0  }
0x19: {  	[sflag:s10] =	ssyncadd.s32 $0xFFFFD880  }
0x1a: {  	[spmem:s13], [sflag:s12] =	dma.local [hbm:s6], $0x2780  }
0x1b: {  	_ =	swait.ge [sflag:s10], $0x2780  }
0x1c: {  	[sflag:s10] =	ssyncset.done $0x0  }
0x1d: {  	[sflag:s10] =	ssyncadd.s32 $0xFFFFD880  }
0x1e: {  	s18 =	simm.s32 $0x0;
	[bflag:$0x0] =	sbarrier.arrive $0xFFFF  }
0x1f: {  	[tilespmem:s15], [sflag:$0x1] =	stream.indirect.gather [hbm4b:s7+s14], $0x80, s18, s14, $0xb8;
	[tilespmem:$0x1CC00] =	vst v63  }
0x20: {  	_ =	swait.ge [sflag:s16], $0x4000  }
0x21: {  	[sflag:s16] =	ssyncset.done $0x0  }
0x22: {  	s31 =	simm.s32 $0x2800;
	[sflag:s16] =	ssyncadd.s32 $0xFFFFC000  }
0x23: {  	[spmem:s2] =	stream.indirect.scatter.add.f32 [tilespmem:s15], [sflag:$0x2], $0x80, s31, s14, $0xb8;
	[tilespmem:$0x1CC00] =	vst v63  }
0x24: {  	_ =	swait.ge [sflag:s10], $0x4000  }
0x25: {  	s19 =	simm.s32 $0x400;
	s18 =	simm.s32 $0x200;
	[sflag:s10] =	ssyncset.done $0x0  }
.LBB2_2:
0x26: {  	s20 =	sshra.s32 s18, $0x2  }
0x27: {  	[sflag:s10] =	ssyncadd.s32 $0xFFFFC000;
	s18 =	smov.u32 s19;
	s21 =	sadd.s32 $0x200, s19  }
0x28: {  	[tilespmem:s15], [sflag:$0x1] =	stream.indirect.gather [hbm4b:s7+s14], $0x80, s20, s14, $0xb8;
	[tilespmem:$0x1CC00] =	vst v63  }
0x29: {  	p0 =	sne.s32 s19, $0x9C00;
	_ =	swait.ge [sflag:s16], $0x4000  }
.Ltmp0:
0x2a: {  	[sflag:s16] =	ssyncset.done $0x0;
	(pc) =	sbr.rel @p0 .LBB2_2-.Ltmp0, $4  }
0x2b: {  	s19 =	sadd.s32 $0x2800, s20;
	[sflag:s16] =	ssyncadd.s32 $0xFFFFC000  }
0x2c: {  	[spmem:s2] =	stream.indirect.scatter.add.f32 [tilespmem:s15], [sflag:$0x2], $0x80, s19, s14, $0xb8;
	[tilespmem:$0x1CC00] =	vst v63  }
0x2d: {  	_ =	swait.ge [sflag:s10], $0x4000  }
0x2e: {  	s19 =	smov.u32 s21;
	[sflag:s10] =	ssyncset.done $0x0  }
0x2f: {  	s18 =	sshra.s32 s18, $0x2;
	[sflag:s10] =	ssyncadd.s32 $0xFFFFC000  }
0x30: {  	[tilespmem:s15], [sflag:$0x1] =	stream.indirect.gather [hbm4b:s7+s14], $0x80, s18, s14, $0xb8;
	[tilespmem:$0x1CC00] =	vst v63  }
0x31: {  	_ =	swait.ge [sflag:s16], $0x4000  }
0x32: {  	[sflag:s16] =	ssyncset.done $0x0  }
0x33: {  	s18 =	sadd.s32 $0x2800, s18;
	[sflag:s16] =	ssyncadd.s32 $0xFFFFC000  }
0x34: {  	[spmem:s2] =	stream.indirect.scatter.add.f32 [tilespmem:s15], [sflag:$0x2], $0x80, s18, s14, $0xb8;
	[tilespmem:$0x1CC00] =	vst v63  }
0x35: {  	_ =	swait.ge [sflag:s10], $0x4000  }
0x36: {  	s17 =	sadd.s32 $0x1, s17;
	[sflag:s10] =	ssyncset.done $0x0  }
0x37: {  	p0 =	sne.s32 s17, s9;
	[sflag:s10] =	ssyncadd.s32 $0xFFFFC000  }
.Ltmp1:
0x38: {  	[bflag:$0x0] =	sbarrier.arrive $0xFFFF;
	(pc) =	sbr.rel @p0 .LBB2_1-.Ltmp1, $4  }
0x39: {  	[hbm:s8], [sflag:s12] =	dma.local [spmem:s13], $0x2780  }
0x3a: {  	_ =	swait.ge [sflag:s10], $0x2780  }
0x3b: {  	[sflag:s10] =	ssyncset.done $0x0  }
0x3c: {  	[sflag:s10] =	ssyncadd.s32 $0xFFFFD880  }
0x3d: {  	_ =	sfence.sel $0x180000  }
0x3e: {  	[bflag:$0x0] =	sbarrier.arrive $0xFFFF  }
0x3f: {  	p0 =	sne.s32 s1, $0x0;
	_ =	strace $0x90000047  }
0x40: {  	s0 =	sadd.s32 @!p0 $0x100000, s0;
	[bflag:$0x2] =	sbarrier.arrive $0xFFFF  }
0x41: {  	[sflag:s0] =	ssyncadd.tile.s32 @!p0 $0x1;
	_ =	shalt  }
.Lfunc_end2:
_tile_overlayer_lowered:
.L_overlay_start_2:
0x42: {  	(tag) =	ssettag $0x2  }
0x43: {  	s0 =	rddreg [dreg:$0x0];
	s2 =	stileid.u32  }
0x44: {  	s1 =	rddreg [dreg:$0x1];
	p0 =	sne.s32 s2, $0x0  }
0x45: {  	s3 =	rddreg [dreg:$0x2];
	[bflag:$0x3] =	sbarrier.arrive $0xFFFF;
	s2 =	simm.s32 @!p0 $0x1C02  }
0x46: {  	[timem:s3], [sflag:s2] =	dma.local @!p0 [hbm:s0], s1  }
0x47: {  	s0 =	simm.s32 @!p0 $0x2  }
0x48: {  	_ =	swait.ge @!p0 [sflag:s0], s1  }
0x49: {  	s1 =	ssub.s32 @!p0 $0x0, s1;
	[sflag:s0] =	ssyncset.done @!p0 $0x0  }
0x4a: {  	[sflag:s0] =	ssyncadd.s32 @!p0 s1  }
0x4b: {  	[bflag:$0x3] =	sbarrier.arrive $0xFFFF  }
0x4c: {  	_ =	shalt  }

// kernel: kernel.13.cloned.1.call-start
scs
__scs_entry_jumppad:
0x0: {  	(pc) =	sbr.rel $0x88, $3  }
0x1: {  	(tag) =	ssettag $0x0;
	lr =	simm.s32 $0x1  }
0x2: {  	[smem:$0x3F89] =	sst lr;
	_ =	strace $0xD0000000  }
0x3: {  	_ = 	snop  }
0x4: {  	_ = 	snop  }
0x5: {  	_ = 	snop  }
0x6: {  	_ = 	snop  }
0x7: {  	_ = 	snop  }
__scs_overlays_trampoline_lowered:
0x8: {  	[smem:$0x3F98] =	sst s0  }
0x9: {  	[smem:$0x3F99] =	sst s1  }
0xa: {  	[smem:$0x3F9A] =	sst s2  }
0xb: {  	[smem:$0x3F9B] =	sst s3  }
0xc: {  	[smem:$0x3F9C] =	sst s4  }
0xd: {  	[smem:$0x3F9D] =	sst s5  }
0xe: {  	[smem:$0x3F9E] =	sst s6  }
0xf: {  	[smem:$0x3F9F] =	sst s7  }
0x10: {  	[smem:$0x3FA0] =	sst s8  }
0x11: {  	[smem:$0x3FA1] =	sst s9;
	s0 =	simm.s32 @!p0 $0x0  }
0x12: {  	s1 =	sld [smem:$0x3F87];
	s0 =	simm.s32 @p0 $0x1  }
0x13: {  	[smem:$0x3FA2] =	sst s0;
	s0 =	simm.s32 @!p1 $0x0  }
0x14: {  	s2 =	sld [smem:$0x3F86];
	s0 =	simm.s32 @p1 $0x1  }
0x15: {  	[smem:$0x3FA3] =	sst s0;
	s0 =	simm.s32 @!p2 $0x0  }
0x16: {  	s3 =	sld [smem:$0x3FDB];
	s0 =	simm.s32 @p2 $0x1  }
0x17: {  	s4 =	simm.s32 $0x1BF5;
	[smem:$0x3FA5] =	sst s0  }
0x18: {  	s0 =	sld [smem:$0x3F88];
	_ =	swait.ge [sflag:s4], $0x0  }
0x19: {  	s7 =	sld [smem:$0x3F89]  }
0x1a: {  	s8 =	sadd.s32 $0xFFFFE003, lr  }
0x1b: {  	s9 =	sadd.s32 $0xFFFFFEF7, lr;
	s5 =	simm.s32 $0xFFFFFFFF;
	p2 =	slt.u32 s8, $0xFFFFF086  }
0x1c: {  	p1 =	slt.u32 s9, $0xF7A;
	s5 =	simm.s32 @!p2 $0x0  }
0x1d: {  	s5 =	simm.s32 @p1 $0x1;
	p0 =	seq.s32 s7, s2  }
0x1e: {  	s7 =	smul.u32 @!p0 $0xF7A, s2;
	p2 =	seq.s32 @!p0 s5, $0x0  }
0x1f: {  	s9 =	smul.u32 $0xF7A, s1;
	s8 =	simm.s32 @!p0 $0x1BF5;
	p2 =	por !p2, p0  }
0x20: {  	[sflag:s8] =	ssyncset.s32 @!p0 $0xFFFFF086;
	s6 =	sadd.s32 @!p0 s3, s7;
	s7 =	simm.s32 @!p0 $0x108  }
0x21: {  	s3 =	sadd.s32 s3, s9;
	s6 =	sadd.s32 @!p0 $0x88, s6;
	s7 =	simm.s32 @p2 $0x1082  }
0x22: {  	[simem:s7], [sflag:s8] =	dma.local @!p0 [hbm:s6], $0xF7A  }
0x23: {  	s9 =	sor.u32 $0xD0000000, s2;
	s6 =	simm.s32 $0x108;
	_ =	swait.ge @!p0 [sflag:s8], $0x0  }
0x24: {  	s3 =	sadd.s32 $0x88, s3;
	s6 =	simm.s32 @!p1 $0x1082;
	[sflag:s4] =	ssyncset.s32 $0xFFFFF086  }
0x25: {  	[simem:s6], [sflag:s4] =	dma.local [hbm:s3], $0xF7A  }
0x26: {  	[smem:$0x3F89] =	sst s1;
	(tag) =	ssettag s2;
	_ =	strace s9  }
0x27: {  	s1 =	sld [smem:$0x3F99]  }
0x28: {  	s2 =	sld [smem:$0x3F9A]  }
0x29: {  	s4 =	sld [smem:$0x3F9C]  }
0x2a: {  	p0 =	seq.s32 s5, $0x0;
	s5 =	sld [smem:$0x3F9D]  }
0x2b: {  	s6 =	sld [smem:$0x3F9E]  }
0x2c: {  	s7 =	sld [smem:$0x3F9F]  }
0x2d: {  	s3 =	simm.s32 $0x108;
	s8 =	sld [smem:$0x3FA0]  }
0x2e: {  	s3 =	simm.s32 @!p0 $0x1082;
	s9 =	sld [smem:$0x3FA1]  }
0x2f: {  	lr =	sadd.s32 s0, s3;
	s0 =	sld [smem:$0x3F98]  }
0x30: {  	s3 =	sld [smem:$0x3F9B]  }
0x31: {  	[smem:$0x3FA4] =	sst s10  }
0x32: {  	s10 =	sld [smem:$0x3FA2];
	_ =	sdelay $0x3  }
0x33: {  	p0 =	seq.s32 s10, $0x1;
	s10 =	sld [smem:$0x3FA4];
	_ =	sdelay $0x3  }
0x34: {  	[smem:$0x3FA4] =	sst s10  }
0x35: {  	s10 =	sld [smem:$0x3FA3];
	_ =	sdelay $0x3  }
0x36: {  	p1 =	seq.s32 s10, $0x1;
	s10 =	sld [smem:$0x3FA4];
	_ =	sdelay $0x3  }
0x37: {  	[smem:$0x3FA4] =	sst s10  }
0x38: {  	s10 =	sld [smem:$0x3FA5]  }
0x39: {  	_ = 	snop;
	(pc) =	sbr.ind lr, $3  }
0x3a: {  	_ = 	snop  }
0x3b: {  	_ = 	snop  }
0x3c: {  	p2 =	seq.s32 s10, $0x1;
	s10 =	sld [smem:$0x3FA4]  }
0x3d: {  	_ =	shalt  }
0x3e: {  	_ =	shalt  }
0x3f: {  	_ =	shalt  }
0x40: {  	_ =	shalt  }
0x41: {  	_ =	shalt  }
0x42: {  	_ =	shalt  }
0x43: {  	_ =	shalt  }
0x44: {  	_ =	shalt  }
0x45: {  	_ =	shalt  }
0x46: {  	_ =	shalt  }
0x47: {  	_ =	shalt  }
0x48: {  	_ =	shalt  }
0x49: {  	_ =	shalt  }
0x4a: {  	_ =	shalt  }
0x4b: {  	_ =	shalt  }
0x4c: {  	_ =	shalt  }
0x4d: {  	_ =	shalt  }
0x4e: {  	_ =	shalt  }
0x4f: {  	_ =	shalt  }
0x50: {  	_ =	shalt  }
0x51: {  	_ =	shalt  }
0x52: {  	_ =	shalt  }
0x53: {  	_ =	shalt  }
0x54: {  	_ =	shalt  }
0x55: {  	_ =	shalt  }
0x56: {  	_ =	shalt  }
0x57: {  	_ =	shalt  }
0x58: {  	_ =	shalt  }
0x59: {  	_ =	shalt  }
0x5a: {  	_ =	shalt  }
0x5b: {  	_ =	shalt  }
0x5c: {  	_ =	shalt  }
0x5d: {  	_ =	shalt  }
0x5e: {  	_ =	shalt  }
0x5f: {  	_ =	shalt  }
0x60: {  	_ =	shalt  }
0x61: {  	_ =	shalt  }
0x62: {  	_ =	shalt  }
0x63: {  	_ =	shalt  }
0x64: {  	_ =	shalt  }
0x65: {  	_ =	shalt  }
0x66: {  	_ =	shalt  }
0x67: {  	_ =	shalt  }
0x68: {  	_ =	shalt  }
0x69: {  	_ =	shalt  }
0x6a: {  	_ =	shalt  }
0x6b: {  	_ =	shalt  }
0x6c: {  	_ =	shalt  }
0x6d: {  	_ =	shalt  }
0x6e: {  	_ =	shalt  }
0x6f: {  	_ =	shalt  }
0x70: {  	_ =	shalt  }
0x71: {  	_ =	shalt  }
0x72: {  	_ =	shalt  }
0x73: {  	_ =	shalt  }
0x74: {  	_ =	shalt  }
0x75: {  	_ =	shalt  }
0x76: {  	_ =	shalt  }
0x77: {  	_ =	shalt  }
0x78: {  	_ =	shalt  }
0x79: {  	_ =	shalt  }
0x7a: {  	_ =	shalt  }
0x7b: {  	_ =	shalt  }
0x7c: {  	_ =	shalt  }
0x7d: {  	_ =	shalt  }
0x7e: {  	_ =	shalt  }
0x7f: {  	_ =	shalt  }
0x80: {  	_ =	shalt  }
0x81: {  	_ =	shalt  }
0x82: {  	_ =	shalt  }
0x83: {  	_ =	shalt  }
0x84: {  	_ =	shalt  }
0x85: {  	_ =	shalt  }
0x86: {  	_ =	shalt  }
0x87: {  	_ =	shalt  }
.Lfunc_end0:
.L_simem_size_0:
called_computation.2_lowered:
.L_overlay_start_0:
0x88: {  	s2 =	sld [smem:$0x3FD9]  }
0x89: {  	s3 =	sld [smem:$0x3FFE];
	_ =	sdelay $0x1  }
0x8a: {  	s1 =	srdreg.scid  }
0x8b: {  	s0 =	sand.u32 $0x1, s1  }
0x8c: {  	s14 =	sshll.u32 s0, $0xA;
	s2 =	sadd.s32 s3, s2  }
0x8d: {  	s2 =	sadd.s32 s2, s14  }
0x8e: {  	[smem:$0x3FB0] =	sst s2  }
0x8f: {  	_ = 	snop  }
0x90: {  	s2 =	sld [smem:$0x3FD0];
	_ =	sdelay $0x2  }
0x91: {  	s15 =	simm.s32 $0xB;
	s4 =	simm.s32 $0x10  }
0x92: {  	[smem:s4], [sflag:s15] =	dma.local [hbm:s2], $0x1  }
0x93: {  	_ =	swait.eq [sflag:s15], $0x1  }
0x94: {  	[sflag:s15] =	ssyncset.done $0x0  }
0x95: {  	s16 =	sld [smem:$0x10];
	[sflag:s15] =	ssyncadd.s32 $0xFFFFFFFF  }
0x96: {  	s17 =	sld [smem:$0x11];
	(tm) =	ssettm $0x1  }
0x97: {  	s18 =	sld [smem:$0x3FFB];
	_ =	sdelay $0x3  }
0x98: {  	_ =	strace s18  }
0x99: {  	s4 =	sld [smem:$0x3FFC];
	_ =	sdelay $0x3  }
0x9a: {  	_ =	strace s4  }
0x9b: {  	s4 =	sld [smem:$0x3FFD];
	_ =	sdelay $0x3  }
0x9c: {  	_ =	strace s4  }
0x9d: {  	_ =	strace $0x8FFFFFFF  }
0x9e: {  	s19 =	sld [smem:$0x3FDB];
	_ =	sdelay $0x1  }
0x9f: {  	s5 =	simm.s32 $_scs_section_size  }
0xa0: {  	s6 =	simm.s32 $_size__tile_overlayer_lowered;
	s7 =	simm.s32 $_tile_overlayer_lowered  }
0xa1: {  	s22 =	simm.s32 $0x1BFF;
	s21 =	sshll.u32 s7, $0x1;
	s4 =	sadd.s32 s5, s19  }
0xa2: {  	s8 =	simm.s32 $0x0;
	s20 =	sshll.u32 s6, $0x1;
	s6 =	sadd.s32 s21, s4  }
0xa3: {  	[timem:s8], [sflag:s22] =	dma.local [hbm:s6], s20  }
0xa4: {  	_ =	swait.ge [sflag:s22], s20  }
0xa5: {  	s5 =	ssub.s32 $0x0, s20;
	[sflag:s22] =	ssyncset.done $0x0  }
0xa6: {  	[sflag:s22] =	ssyncadd.s32 s5;
	_ =	sdelay $0x1  }
0xa7: {  	s23 =	simm.s32 $0x1B8B  }
0xa8: {  	_ =	swait.ge [sflag:s23], $0x1  }
0xa9: {  	[sflag:s23] =	ssyncset.done $0x0  }
0xaa: {  	s25 =	simm.s32 $0x1B8E;
	s24 =	sld [smem:$0x3FFE];
	[sflag:s23] =	ssyncadd.s32 $0xFFFFFFFF  }
0xab: {  	s26 =	simm.s32 $execute0_lowered;
	[smem:$0x3FD2] =	sst s25  }
0xac: {  	s6 =	sshll.u32 s26, $0x1;
	_ =	strace $0x8000004C;
	[dreg:$0x1] =	wrdreg $0xFFFFFFFF  }
0xad: {  	s28 =	simm.s32 $_size_execute0_lowered;
	s4 =	sadd.s32 s4, s6;
	[dreg:$0x0] =	wrdreg $0x0  }
0xae: {  	s6 =	sshll.u32 s28, $0x1;
	[dreg:$0x2] =	wrdreg s4  }
0xaf: {  	[dreg:$0x3] =	wrdreg s6  }
0xb0: {  	[dreg:$0x4] =	wrdreg $0xC0  }
0xb1: {  	_ =	task [dreg:s8], $0x5FFFF  }
0xb2: {  	[dreg:$0x1] =	wrdreg $0xFFFFFFFF  }
0xb3: {  	[dreg:$0x0] =	wrdreg $0x60  }
0xb4: {  	[dreg:$0x2] =	wrdreg s24  }
0xb5: {  	[dreg:$0x3] =	wrdreg s16  }
0xb6: {  	[dreg:$0x4] =	wrdreg s17  }
0xb7: {  	[dreg:$0x5] =	wrdreg $0x90000  }
0xb8: {  	[dreg:$0x6] =	wrdreg $0x9  }
0xb9: {  	_ =	task.clear_ibuf [dreg:s8], $0x7FFFF;
	_ =	strace $0x9000004C  }
0xba: {  	s29 =	simm.s32 $0x9;
	_ =	strace $0x8000004E  }
0xbb: {  	_ =	swait.ge [sflag:s29], $0x1  }
0xbc: {  	[sflag:s29] =	ssyncadd.s32 $0xFFFFFFFF  }
0xbd: {  	_ =	strace $0x9000004E  }
0xbe: {  	_ =	sfence  }
0xbf: {  	s30 =	sld [smem:$0x0];
	_ =	sdelay $0x2  }
0xc0: {  	s31 =	sshll.u32 s1, $0xD;
	s1 =	sshrl.u32 s1, $0x2  }
0xc1: {  	s3 =	sand.u32 $0x4000, s31;
	s1 =	sadd.s32 s1, s30  }
0xc2: {  	s0 =	sor.u32 s3, s0;
	s1 =	sshll.u32 s1, $0x11  }
0xc3: {  	s0 =	sor.u32 s1, s0  }
0xc4: {  	s0 =	sadd.s32 $0x8F2B, s0  }
0xc5: {  	[sflag:s0] =	ssyncadd.remote.s32 $0x1  }
0xc6: {  	_ =	sfence.sel $0xFFFF  }
0xc7: {  	[dreg:$0x0] =	wrdreg $0xFFFFFFFF;
	(pc) =	sbr.abs _section_cstart, $3  }
0xc8: {  	[dreg:$0x1] =	wrdreg $0xFFFFFFFF  }
0xc9: {  	_ =	task.clear_ibuf [dreg:s8], $0x2FFFF;
	_ =	strace $0x9FFFFFFF  }
0xca: {  	(tm) =	ssettm $0x7FFFFFFF  }
0xcb: {  	_ =	shalt  }
tec
execute0_lowered:
.L_overlay_start_1:
0x0: {  	(tag) =	ssettag $0x1  }
0x1: {  	s4 =	rddreg [dreg:$0x0]  }
0x2: {  	s5 =	rddreg [dreg:$0x1]  }
0x3: {  	s6 =	rddreg [dreg:$0x2];
	s1 =	stileid.u32  }
0x4: {  	s0 =	srdreg.scid;
	s9 =	smul.u32 $0x13C00, s1  }
0x5: {  	s2 =	rddreg [dreg:$0x3];
	s3 =	simm.s32 $0x0;
	s26 =	smul.u32 $0x2800, s1  }
0x6: {  	s15 =	simm.s32 $0x5000;
	s7 =	sand.u32 $0x1, s0;
	s28 =	smul.u32 $0x4F000, s1  }
0x7: {  	s16 =	simm.s32 $0x1;
	s0 =	rddreg [dreg:$0x4];
	s8 =	smul.u32 $0x27100, s7  }
0x8: {  	s17 =	simm.s32 $0x0;
	[smem:$0x7FF] =	sst s3;
	s10 =	smul.u32 $0x13C000, s7  }
0x9: {  	s31 =	sshll.u32 s1, $0x6;
	s11 =	smul.u32 $0x28000, s7;
	s7 =	ssub.s32 $0x2, s7  }
0xa: {  	_ =	strace $0x8000004D;
	s12 =	sshrl.u32 s9, $0x3;
	s29 =	sshrl.u32 s7, $0x1  }
0xb: {  	s30 =	sshrl.u32 s28, $0x2;
	s9 =	sadd.s32 s9, s10;
	s8 =	sadd.s32 s8, s4  }
0xc: {  	s12 =	sadd.s32 s12, s4;
	s10 =	sadd.s32 s26, s11;
	s13 =	ssub.s32 s7, s29  }
0xd: {  	s14 =	sadd.s32 s30, s2;
	s11 =	simm.s32 $0x2800;
	s9 =	sshrl.u32 s9, $0x3  }
0xe: {  	s10 =	sshrl.u32 s10, $0x3;
	s7 =	sadd.s32 $0x4200, s8;
	s9 =	sadd.s32 s9, s4  }
0xf: {  	s4 =	sadd.s32 s5, s10;
	s5 =	sadd.s32 s6, s10;
	s6 =	sadd.s32 $0x52400, s12  }
0x10: {  	s10 =	simm.s32 $0x2;
	s12 =	sor.u32 $0x1C02, s31;
	s8 =	sadd.s32 $0x79C00, s9  }
0x11: {  	s9 =	smax.u32 s13, $0x1;
	s13 =	sshrl.u32 s14, $0x3;
	s14 =	simm.s32 $0x80  }
.LBB2_1:
0x12: {  	[tilespmem:s3], [sflag:$0x2] =	stream.linear.gather [hbm4b:s4+s3], $0x2780, $0x38;
	[tilespmem:$0x1CC00] =	vst v63  }
0x13: {  	_ =	swait.ge [sflag:s10], $0x2780  }
0x14: {  	[sflag:s10] =	ssyncset.done $0x0  }
0x15: {  	[sflag:s10] =	ssyncadd.s32 $0xFFFFD880  }
0x16: {  	[tilespmem:s11], [sflag:$0x2] =	stream.linear.gather [hbm4b:s5+s3], $0x2780, $0x38;
	[tilespmem:$0x1CC00] =	vst v63  }
0x17: {  	_ =	swait.ge [sflag:s10], $0x2780  }
0x18: {  	[sflag:s10] =	ssyncset.done $0x0  }
0x19: {  	[sflag:s10] =	ssyncadd.s32 $0xFFFFD880  }
0x1a: {  	[spmem:s13], [sflag:s12] =	dma.local [hbm:s6], $0x2780  }
0x1b: {  	_ =	swait.ge [sflag:s10], $0x2780  }
0x1c: {  	[sflag:s10] =	ssyncset.done $0x0  }
0x1d: {  	[sflag:s10] =	ssyncadd.s32 $0xFFFFD880  }
0x1e: {  	s18 =	simm.s32 $0x0;
	[bflag:$0x0] =	sbarrier.arrive $0xFFFF  }
0x1f: {  	[tilespmem:s15], [sflag:$0x1] =	stream.indirect.gather [hbm4b:s7+s14], $0x80, s18, s14, $0xb8;
	[tilespmem:$0x1CC00] =	vst v63  }
0x20: {  	_ =	swait.ge [sflag:s16], $0x4000  }
0x21: {  	[sflag:s16] =	ssyncset.done $0x0  }
0x22: {  	s31 =	simm.s32 $0x2800;
	[sflag:s16] =	ssyncadd.s32 $0xFFFFC000  }
0x23: {  	[spmem:s2] =	stream.indirect.scatter.add.f32 [tilespmem:s15], [sflag:$0x2], $0x80, s31, s14, $0xb8;
	[tilespmem:$0x1CC00] =	vst v63  }
0x24: {  	_ =	swait.ge [sflag:s10], $0x4000  }
0x25: {  	s19 =	simm.s32 $0x400;
	s18 =	simm.s32 $0x200;
	[sflag:s10] =	ssyncset.done $0x0  }
.LBB2_2:
0x26: {  	s20 =	sshra.s32 s18, $0x2  }
0x27: {  	[sflag:s10] =	ssyncadd.s32 $0xFFFFC000;
	s18 =	smov.u32 s19;
	s21 =	sadd.s32 $0x200, s19  }
0x28: {  	[tilespmem:s15], [sflag:$0x1] =	stream.indirect.gather [hbm4b:s7+s14], $0x80, s20, s14, $0xb8;
	[tilespmem:$0x1CC00] =	vst v63  }
0x29: {  	p0 =	sne.s32 s19, $0x9C00;
	_ =	swait.ge [sflag:s16], $0x4000  }
.Ltmp0:
0x2a: {  	[sflag:s16] =	ssyncset.done $0x0;
	(pc) =	sbr.rel @p0 .LBB2_2-.Ltmp0, $4  }
0x2b: {  	s19 =	sadd.s32 $0x2800, s20;
	[sflag:s16] =	ssyncadd.s32 $0xFFFFC000  }
0x2c: {  	[spmem:s2] =	stream.indirect.scatter.add.f32 [tilespmem:s15], [sflag:$0x2], $0x80, s19, s14, $0xb8;
	[tilespmem:$0x1CC00] =	vst v63  }
0x2d: {  	_ =	swait.ge [sflag:s10], $0x4000  }
0x2e: {  	s19 =	smov.u32 s21;
	[sflag:s10] =	ssyncset.done $0x0  }
0x2f: {  	s18 =	sshra.s32 s18, $0x2;
	[sflag:s10] =	ssyncadd.s32 $0xFFFFC000  }
0x30: {  	[tilespmem:s15], [sflag:$0x1] =	stream.indirect.gather [hbm4b:s7+s14], $0x80, s18, s14, $0xb8;
	[tilespmem:$0x1CC00] =	vst v63  }
0x31: {  	_ =	swait.ge [sflag:s16], $0x4000  }
0x32: {  	[sflag:s16] =	ssyncset.done $0x0  }
0x33: {  	s18 =	sadd.s32 $0x2800, s18;
	[sflag:s16] =	ssyncadd.s32 $0xFFFFC000  }
0x34: {  	[spmem:s2] =	stream.indirect.scatter.add.f32 [tilespmem:s15], [sflag:$0x2], $0x80, s18, s14, $0xb8;
	[tilespmem:$0x1CC00] =	vst v63  }
0x35: {  	_ =	swait.ge [sflag:s10], $0x4000  }
0x36: {  	s17 =	sadd.s32 $0x1, s17;
	[sflag:s10] =	ssyncset.done $0x0  }
0x37: {  	p0 =	sne.s32 s17, s9;
	[sflag:s10] =	ssyncadd.s32 $0xFFFFC000  }
.Ltmp1:
0x38: {  	[bflag:$0x0] =	sbarrier.arrive $0xFFFF;
	(pc) =	sbr.rel @p0 .LBB2_1-.Ltmp1, $4  }
0x39: {  	[hbm:s8], [sflag:s12] =	dma.local [spmem:s13], $0x2780  }
0x3a: {  	_ =	swait.ge [sflag:s10], $0x2780  }
0x3b: {  	[sflag:s10] =	ssyncset.done $0x0  }
0x3c: {  	[sflag:s10] =	ssyncadd.s32 $0xFFFFD880  }
0x3d: {  	_ =	sfence.sel $0x180000  }
0x3e: {  	[bflag:$0x0] =	sbarrier.arrive $0xFFFF  }
0x3f: {  	p0 =	sne.s32 s1, $0x0;
	_ =	strace $0x9000004D  }
0x40: {  	s0 =	sadd.s32 @!p0 $0x100000, s0;
	[bflag:$0x2] =	sbarrier.arrive $0xFFFF  }
0x41: {  	[sflag:s0] =	ssyncadd.tile.s32 @!p0 $0x1;
	_ =	shalt  }
.Lfunc_end2:
_tile_overlayer_lowered:
.L_overlay_start_2:
0x42: {  	(tag) =	ssettag $0x2  }
0x43: {  	s0 =	rddreg [dreg:$0x0];
	s2 =	stileid.u32  }
0x44: {  	s1 =	rddreg [dreg:$0x1];
	p0 =	sne.s32 s2, $0x0  }
0x45: {  	s3 =	rddreg [dreg:$0x2];
	[bflag:$0x3] =	sbarrier.arrive $0xFFFF;
	s2 =	simm.s32 @!p0 $0x1C02  }
0x46: {  	[timem:s3], [sflag:s2] =	dma.local @!p0 [hbm:s0], s1  }
0x47: {  	s0 =	simm.s32 @!p0 $0x2  }
0x48: {  	_ =	swait.ge @!p0 [sflag:s0], s1  }
0x49: {  	s1 =	ssub.s32 @!p0 $0x0, s1;
	[sflag:s0] =	ssyncset.done @!p0 $0x0  }
0x4a: {  	[sflag:s0] =	ssyncadd.s32 @!p0 s1  }
0x4b: {  	[bflag:$0x3] =	sbarrier.arrive $0xFFFF  }
0x4c: {  	_ =	shalt  }

// kernel: kernel.7.cloned.1.call-start
scs
__scs_entry_jumppad:
0x0: {  	(pc) =	sbr.rel $0x88, $3  }
0x1: {  	(tag) =	ssettag $0x0;
	lr =	simm.s32 $0x1  }
0x2: {  	[smem:$0x3F89] =	sst lr;
	_ =	strace $0xD0000000  }
0x3: {  	_ = 	snop  }
0x4: {  	_ = 	snop  }
0x5: {  	_ = 	snop  }
0x6: {  	_ = 	snop  }
0x7: {  	_ = 	snop  }
__scs_overlays_trampoline_lowered:
0x8: {  	[smem:$0x3F98] =	sst s0  }
0x9: {  	[smem:$0x3F99] =	sst s1  }
0xa: {  	[smem:$0x3F9A] =	sst s2  }
0xb: {  	[smem:$0x3F9B] =	sst s3  }
0xc: {  	[smem:$0x3F9C] =	sst s4  }
0xd: {  	[smem:$0x3F9D] =	sst s5  }
0xe: {  	[smem:$0x3F9E] =	sst s6  }
0xf: {  	[smem:$0x3F9F] =	sst s7  }
0x10: {  	[smem:$0x3FA0] =	sst s8  }
0x11: {  	[smem:$0x3FA1] =	sst s9;
	s0 =	simm.s32 @!p0 $0x0  }
0x12: {  	s1 =	sld [smem:$0x3F87];
	s0 =	simm.s32 @p0 $0x1  }
0x13: {  	[smem:$0x3FA2] =	sst s0;
	s0 =	simm.s32 @!p1 $0x0  }
0x14: {  	s2 =	sld [smem:$0x3F86];
	s0 =	simm.s32 @p1 $0x1  }
0x15: {  	[smem:$0x3FA3] =	sst s0;
	s0 =	simm.s32 @!p2 $0x0  }
0x16: {  	s3 =	sld [smem:$0x3FDB];
	s0 =	simm.s32 @p2 $0x1  }
0x17: {  	s4 =	simm.s32 $0x1BF5;
	[smem:$0x3FA5] =	sst s0  }
0x18: {  	s0 =	sld [smem:$0x3F88];
	_ =	swait.ge [sflag:s4], $0x0  }
0x19: {  	s7 =	sld [smem:$0x3F89]  }
0x1a: {  	s8 =	sadd.s32 $0xFFFFE003, lr  }
0x1b: {  	s9 =	sadd.s32 $0xFFFFFEF7, lr;
	s5 =	simm.s32 $0xFFFFFFFF;
	p2 =	slt.u32 s8, $0xFFFFF086  }
0x1c: {  	p1 =	slt.u32 s9, $0xF7A;
	s5 =	simm.s32 @!p2 $0x0  }
0x1d: {  	s5 =	simm.s32 @p1 $0x1;
	p0 =	seq.s32 s7, s2  }
0x1e: {  	s7 =	smul.u32 @!p0 $0xF7A, s2;
	p2 =	seq.s32 @!p0 s5, $0x0  }
0x1f: {  	s9 =	smul.u32 $0xF7A, s1;
	s8 =	simm.s32 @!p0 $0x1BF5;
	p2 =	por !p2, p0  }
0x20: {  	[sflag:s8] =	ssyncset.s32 @!p0 $0xFFFFF086;
	s6 =	sadd.s32 @!p0 s3, s7;
	s7 =	simm.s32 @!p0 $0x108  }
0x21: {  	s3 =	sadd.s32 s3, s9;
	s6 =	sadd.s32 @!p0 $0x88, s6;
	s7 =	simm.s32 @p2 $0x1082  }
0x22: {  	[simem:s7], [sflag:s8] =	dma.local @!p0 [hbm:s6], $0xF7A  }
0x23: {  	s9 =	sor.u32 $0xD0000000, s2;
	s6 =	simm.s32 $0x108;
	_ =	swait.ge @!p0 [sflag:s8], $0x0  }
0x24: {  	s3 =	sadd.s32 $0x88, s3;
	s6 =	simm.s32 @!p1 $0x1082;
	[sflag:s4] =	ssyncset.s32 $0xFFFFF086  }
0x25: {  	[simem:s6], [sflag:s4] =	dma.local [hbm:s3], $0xF7A  }
0x26: {  	[smem:$0x3F89] =	sst s1;
	(tag) =	ssettag s2;
	_ =	strace s9  }
0x27: {  	s1 =	sld [smem:$0x3F99]  }
0x28: {  	s2 =	sld [smem:$0x3F9A]  }
0x29: {  	s4 =	sld [smem:$0x3F9C]  }
0x2a: {  	p0 =	seq.s32 s5, $0x0;
	s5 =	sld [smem:$0x3F9D]  }
0x2b: {  	s6 =	sld [smem:$0x3F9E]  }
0x2c: {  	s7 =	sld [smem:$0x3F9F]  }
0x2d: {  	s3 =	simm.s32 $0x108;
	s8 =	sld [smem:$0x3FA0]  }
0x2e: {  	s3 =	simm.s32 @!p0 $0x1082;
	s9 =	sld [smem:$0x3FA1]  }
0x2f: {  	lr =	sadd.s32 s0, s3;
	s0 =	sld [smem:$0x3F98]  }
0x30: {  	s3 =	sld [smem:$0x3F9B]  }
0x31: {  	[smem:$0x3FA4] =	sst s10  }
0x32: {  	s10 =	sld [smem:$0x3FA2];
	_ =	sdelay $0x3  }
0x33: {  	p0 =	seq.s32 s10, $0x1;
	s10 =	sld [smem:$0x3FA4];
	_ =	sdelay $0x3  }
0x34: {  	[smem:$0x3FA4] =	sst s10  }
0x35: {  	s10 =	sld [smem:$0x3FA3];
	_ =	sdelay $0x3  }
0x36: {  	p1 =	seq.s32 s10, $0x1;
	s10 =	sld [smem:$0x3FA4];
	_ =	sdelay $0x3  }
0x37: {  	[smem:$0x3FA4] =	sst s10  }
0x38: {  	s10 =	sld [smem:$0x3FA5]  }
0x39: {  	_ = 	snop;
	(pc) =	sbr.ind lr, $3  }
0x3a: {  	_ = 	snop  }
0x3b: {  	_ = 	snop  }
0x3c: {  	p2 =	seq.s32 s10, $0x1;
	s10 =	sld [smem:$0x3FA4]  }
0x3d: {  	_ =	shalt  }
0x3e: {  	_ =	shalt  }
0x3f: {  	_ =	shalt  }
0x40: {  	_ =	shalt  }
0x41: {  	_ =	shalt  }
0x42: {  	_ =	shalt  }
0x43: {  	_ =	shalt  }
0x44: {  	_ =	shalt  }
0x45: {  	_ =	shalt  }
0x46: {  	_ =	shalt  }
0x47: {  	_ =	shalt  }
0x48: {  	_ =	shalt  }
0x49: {  	_ =	shalt  }
0x4a: {  	_ =	shalt  }
0x4b: {  	_ =	shalt  }
0x4c: {  	_ =	shalt  }
0x4d: {  	_ =	shalt  }
0x4e: {  	_ =	shalt  }
0x4f: {  	_ =	shalt  }
0x50: {  	_ =	shalt  }
0x51: {  	_ =	shalt  }
0x52: {  	_ =	shalt  }
0x53: {  	_ =	shalt  }
0x54: {  	_ =	shalt  }
0x55: {  	_ =	shalt  }
0x56: {  	_ =	shalt  }
0x57: {  	_ =	shalt  }
0x58: {  	_ =	shalt  }
0x59: {  	_ =	shalt  }
0x5a: {  	_ =	shalt  }
0x5b: {  	_ =	shalt  }
0x5c: {  	_ =	shalt  }
0x5d: {  	_ =	shalt  }
0x5e: {  	_ =	shalt  }
0x5f: {  	_ =	shalt  }
0x60: {  	_ =	shalt  }
0x61: {  	_ =	shalt  }
0x62: {  	_ =	shalt  }
0x63: {  	_ =	shalt  }
0x64: {  	_ =	shalt  }
0x65: {  	_ =	shalt  }
0x66: {  	_ =	shalt  }
0x67: {  	_ =	shalt  }
0x68: {  	_ =	shalt  }
0x69: {  	_ =	shalt  }
0x6a: {  	_ =	shalt  }
0x6b: {  	_ =	shalt  }
0x6c: {  	_ =	shalt  }
0x6d: {  	_ =	shalt  }
0x6e: {  	_ =	shalt  }
0x6f: {  	_ =	shalt  }
0x70: {  	_ =	shalt  }
0x71: {  	_ =	shalt  }
0x72: {  	_ =	shalt  }
0x73: {  	_ =	shalt  }
0x74: {  	_ =	shalt  }
0x75: {  	_ =	shalt  }
0x76: {  	_ =	shalt  }
0x77: {  	_ =	shalt  }
0x78: {  	_ =	shalt  }
0x79: {  	_ =	shalt  }
0x7a: {  	_ =	shalt  }
0x7b: {  	_ =	shalt  }
0x7c: {  	_ =	shalt  }
0x7d: {  	_ =	shalt  }
0x7e: {  	_ =	shalt  }
0x7f: {  	_ =	shalt  }
0x80: {  	_ =	shalt  }
0x81: {  	_ =	shalt  }
0x82: {  	_ =	shalt  }
0x83: {  	_ =	shalt  }
0x84: {  	_ =	shalt  }
0x85: {  	_ =	shalt  }
0x86: {  	_ =	shalt  }
0x87: {  	_ =	shalt  }
.Lfunc_end0:
.L_simem_size_0:
called_computation_lowered:
.L_overlay_start_0:
0x88: {  	s2 =	sld [smem:$0x3FD9]  }
0x89: {  	s3 =	sld [smem:$0x3FFE];
	_ =	sdelay $0x1  }
0x8a: {  	s1 =	srdreg.scid  }
0x8b: {  	s0 =	sand.u32 $0x1, s1  }
0x8c: {  	s17 =	sshll.u32 s0, $0xA;
	s2 =	sadd.s32 s3, s2  }
0x8d: {  	s2 =	sadd.s32 s2, s17  }
0x8e: {  	[smem:$0x3FB0] =	sst s2  }
0x8f: {  	_ = 	snop  }
0x90: {  	(tm) =	ssettm $0x1  }
0x91: {  	s18 =	sld [smem:$0x3FFB];
	_ =	sdelay $0x3  }
0x92: {  	_ =	strace s18  }
0x93: {  	s2 =	sld [smem:$0x3FFC];
	_ =	sdelay $0x3  }
0x94: {  	_ =	strace s2  }
0x95: {  	s2 =	sld [smem:$0x3FFD];
	_ =	sdelay $0x3  }
0x96: {  	_ =	strace s2  }
0x97: {  	_ =	strace $0x8FFFFFFF  }
0x98: {  	s19 =	sld [smem:$0x3FDB];
	_ =	sdelay $0x1  }
0x99: {  	s20 =	simm.s32 $_scs_section_size  }
0x9a: {  	s4 =	simm.s32 $_size__tile_overlayer_lowered;
	s5 =	simm.s32 $_tile_overlayer_lowered  }
0x9b: {  	s6 =	simm.s32 $0x1BFF;
	s21 =	sshll.u32 s5, $0x1;
	s3 =	sadd.s32 s20, s19  }
0x9c: {  	s22 =	simm.s32 $0x0;
	s4 =	sshll.u32 s4, $0x1;
	s5 =	sadd.s32 s21, s3  }
0x9d: {  	[timem:s22], [sflag:s6] =	dma.local [hbm:s5], s4  }
0x9e: {  	_ =	swait.ge [sflag:s6], s4  }
0x9f: {  	s4 =	ssub.s32 $0x0, s4;
	[sflag:s6] =	ssyncset.done $0x0  }
0xa0: {  	[sflag:s6] =	ssyncadd.s32 s4;
	_ =	sdelay $0x1  }
0xa1: {  	s23 =	simm.s32 $0x1B8B  }
0xa2: {  	_ =	swait.ge [sflag:s23], $0x1  }
0xa3: {  	[sflag:s23] =	ssyncset.done $0x0  }
0xa4: {  	[sflag:s23] =	ssyncadd.s32 $0xFFFFFFFF  }
0xa5: {  	s4 =	sld [smem:$0x0]  }
0xa6: {  	s5 =	sand.u32 $0xFFFFFFFE, s1  }
0xa7: {  	p0 =	sne.s32 s1, s5  }
0xa8: {  	s5 =	sshll.u32 @p0 s5, $0xE  }
0xa9: {  	s5 =	sadd.s32 @p0 $0x11B8D, s5;
	s6 =	sshll.u32 @p0 s4, $0x11  }
0xaa: {  	s5 =	sor.u32 @p0 s6, s5  }
0xab: {  	[sflag:s5] =	ssyncadd.remote.s32 @p0 $0x1;
	_ =	sdelay $0x1  }
0xac: {  	s5 =	simm.s32 @p0 $0x1B8D  }
0xad: {  	_ =	swait.eq @p0 [sflag:s5], $0x1  }
0xae: {  	[sflag:s5] =	ssyncadd.s32 @p0 $0xFFFFFFFF  }
0xaf: {  	s6 =	sshll.u32 @!p0 s1, $0xE  }
0xb0: {  	s6 =	sor.u32 @!p0 $0x4000, s6;
	s5 =	simm.s32 @!p0 $0x1B8D  }
0xb1: {  	s4 =	sshll.u32 @!p0 s4, $0x11;
	s6 =	sadd.s32 @!p0 $0x11B8D, s6;
	_ =	swait.eq @!p0 [sflag:s5], $0x1  }
0xb2: {  	s4 =	sor.u32 @!p0 s4, s6;
	[sflag:s5] =	ssyncadd.s32 @!p0 $0xFFFFFFFF  }
0xb3: {  	s25 =	simm.s32 $0x1B8E;
	s24 =	sld [smem:$0x3FFE];
	[sflag:s4] =	ssyncadd.remote.s32 @!p0 $0x1  }
0xb4: {  	s26 =	simm.s32 $execute0_lowered;
	[smem:$0x3FD2] =	sst s25  }
0xb5: {  	s5 =	sshll.u32 s26, $0x1;
	_ =	strace $0x80000049;
	[dreg:$0x1] =	wrdreg $0xFFFFFFFF  }
0xb6: {  	s28 =	simm.s32 $_size_execute0_lowered;
	s3 =	sadd.s32 s3, s5;
	[dreg:$0x0] =	wrdreg $0x0  }
0xb7: {  	s5 =	sshll.u32 s28, $0x1;
	[dreg:$0x2] =	wrdreg s3  }
0xb8: {  	[dreg:$0x3] =	wrdreg s5  }
0xb9: {  	[dreg:$0x4] =	wrdreg $0xC0  }
0xba: {  	_ =	task [dreg:s22], $0x5FFFF  }
0xbb: {  	[dreg:$0x1] =	wrdreg $0xFFFFFFFF  }
0xbc: {  	[dreg:$0x0] =	wrdreg $0x60  }
0xbd: {  	[dreg:$0x2] =	wrdreg s24  }
0xbe: {  	[dreg:$0x3] =	wrdreg $0x9  }
0xbf: {  	_ =	task.clear_ibuf [dreg:s22], $0x4FFFF;
	_ =	strace $0x90000049  }
0xc0: {  	s29 =	simm.s32 $0x9;
	_ =	strace $0x8000004B  }
0xc1: {  	_ =	swait.ge [sflag:s29], $0x1  }
0xc2: {  	[sflag:s29] =	ssyncadd.s32 $0xFFFFFFFF  }
0xc3: {  	_ =	strace $0x9000004B  }
0xc4: {  	_ =	sfence  }
0xc5: {  	s30 =	sld [smem:$0x0];
	_ =	sdelay $0x2  }
0xc6: {  	s31 =	sshll.u32 s1, $0xD;
	s1 =	sshrl.u32 s1, $0x2  }
0xc7: {  	s4 =	sand.u32 $0x4000, s31;
	s1 =	sadd.s32 s1, s30  }
0xc8: {  	s0 =	sor.u32 s4, s0;
	s1 =	sshll.u32 s1, $0x11  }
0xc9: {  	s0 =	sor.u32 s1, s0  }
0xca: {  	s0 =	sadd.s32 $0x8F2B, s0  }
0xcb: {  	[sflag:s0] =	ssyncadd.remote.s32 $0x1  }
0xcc: {  	_ =	sfence.sel $0xFFFF  }
0xcd: {  	[dreg:$0x0] =	wrdreg $0xFFFFFFFF;
	(pc) =	sbr.abs _section_cstart, $3  }
0xce: {  	[dreg:$0x1] =	wrdreg $0xFFFFFFFF  }
0xcf: {  	_ =	task.clear_ibuf [dreg:s22], $0x2FFFF;
	_ =	strace $0x9FFFFFFF  }
0xd0: {  	(tm) =	ssettm $0x7FFFFFFF  }
0xd1: {  	_ =	shalt  }
tec
execute0_lowered:
.L_overlay_start_1:
0x0: {  	(tag) =	ssettag $0x1  }
0x1: {  	s1 =	srdreg.scid  }
0x2: {  	s0 =	stileid.u32;
	s4 =	rddreg [dreg:$0x0];
	s9 =	simm.s32 $0x1  }
0x3: {  	s10 =	simm.s32 $0x2780;
	s3 =	sand.u32 $0x1, s1;
	s28 =	smul.u32 $0x2800, s0  }
0x4: {  	s11 =	simm.s32 $0x0;
	s2 =	sshrl.u32 s0, $0x3;
	s5 =	smul.u32 $0x27800, s3  }
0x5: {  	s1 =	rddreg [dreg:$0x1];
	s7 =	sshll.u32 s0, $0x7;
	s6 =	smul.u32 $0x13C00, s2  }
0x6: {  	s2 =	simm.s32 $0x0;
	s8 =	smul.u32 $0x28000, s3;
	s26 =	sand.u32 $0x380, s7  }
0x7: {  	s30 =	ssub.s32 $0x2, s3;
	s3 =	sadd.s32 $0xD2A00, s4;
	s5 =	sadd.s32 s5, s6  }
0x8: {  	[smem:$0x7FF] =	sst s2;
	s31 =	sshrl.u32 s30, $0x1;
	s5 =	sor.u32 s26, s5  }
0x9: {  	_ =	strace $0x8000004A;
	s29 =	sadd.s32 s28, s8;
	s5 =	sshrl.u32 s5, $0x3  }
0xa: {  	s7 =	ssub.s32 s30, s31;
	s6 =	sshrl.u32 s29, $0x3;
	s5 =	sadd.s32 s5, s4  }
0xb: {  	s8 =	simm.s32 $0x400;
	s6 =	sadd.s32 s6, s4;
	s4 =	sadd.s32 $0xC8C00, s5  }
0xc: {  	v0 =	vimm.f32 $1.000000000e+00;
	s5 =	sadd.s32 $0xD3000, s6;
	s6 =	smax.u32 s7, $0x1;
	s7 =	simm.s32 $0x80  }
.LBB2_1:
0xd: {  	[tilespmem:s2], [sflag:$0x1] =	stream.strided.gather [hbm4b:s4+s7], $0x2780, s8, s7, $0x38;
	[tilespmem:$0x4F80] =	vst v63  }
0xe: {  	_ =	swait.ge [sflag:s9], $0x2780  }
0xf: {  	[sflag:s9] =	ssyncset.done $0x0  }
0x10: {  	[sflag:s9] =	ssyncadd.s32 $0xFFFFD880  }
0x11: {  	[tilespmem:s10], [sflag:$0x1] =	stream.linear.gather [hbm4b:s3+s2], $0x2780, $0x38;
	[tilespmem:$0x4F80] =	vst v63  }
0x12: {  	_ =	swait.ge [sflag:s9], $0x2780  }
0x13: {  	[sflag:s9] =	ssyncset.done $0x0  }
0x14: {  	s13 =	simm.s32 $0x0;
	s12 =	simm.s32 $0x40;
	[sflag:s9] =	ssyncadd.s32 $0xFFFFD880  }
.LBB2_2:
0x15: {  	p0 =	sne.s32 s12, $0x9DC0;
	v1 =	vld [tilespmem:s13+$0x0];
	_ =	sdelay $0x3  }
.Ltmp0:
0x16: {  	(pc) =	sbr.rel @p0 .LBB2_2-.Ltmp0, $2  }
0x17: {  	_ =	sdelay $0x2  }
0x18: {  	s13 =	sshra.s32 s12, $0x2;
	s12 =	sadd.s32 $0x40, s12;
	[tilespmem:v1+s10+$0x0] =	vst.idx.add.f32.msk $0xffff, v0  }
0x19: {  	v1 =	vld [tilespmem:s13+$0x0];
	_ =	sdelay $0x5  }
0x1a: {  	s11 =	sadd.s32 $0x1, s11  }
0x1b: {  	p0 =	sne.s32 s11, s6  }
.Ltmp1:
0x1c: {  	[tilespmem:v1+s10+$0x0] =	vst.idx.add.f32.msk $0xffff, v0;
	(pc) =	sbr.rel @p0 .LBB2_1-.Ltmp1, $4  }
0x1d: {  	[hbm4b:s5+s2] =	stream.linear.scatter [tilespmem:s10], [sflag:$0x1], $0x2780, $0x38;
	[tilespmem:$0x4F80] =	vst v63  }
0x1e: {  	_ =	swait.ge [sflag:s9], $0x2780  }
0x1f: {  	[sflag:s9] =	ssyncset.done $0x0  }
0x20: {  	[sflag:s9] =	ssyncadd.s32 $0xFFFFD880  }
0x21: {  	_ =	sfence.sel $0x180000  }
0x22: {  	[bflag:$0x0] =	sbarrier.arrive $0xFFFF  }
0x23: {  	p0 =	sne.s32 s0, $0x0;
	_ =	strace $0x9000004A  }
0x24: {  	s0 =	sadd.s32 @!p0 $0x100000, s1;
	[bflag:$0x2] =	sbarrier.arrive $0xFFFF  }
0x25: {  	[sflag:s0] =	ssyncadd.tile.s32 @!p0 $0x1;
	_ =	shalt  }
.Lfunc_end2:
_tile_overlayer_lowered:
.L_overlay_start_2:
0x26: {  	(tag) =	ssettag $0x2  }
0x27: {  	s0 =	rddreg [dreg:$0x0];
	s2 =	stileid.u32  }
0x28: {  	s1 =	rddreg [dreg:$0x1];
	p0 =	sne.s32 s2, $0x0  }
0x29: {  	s3 =	rddreg [dreg:$0x2];
	[bflag:$0x3] =	sbarrier.arrive $0xFFFF;
	s2 =	simm.s32 @!p0 $0x1C01  }
0x2a: {  	[timem:s3], [sflag:s2] =	dma.local @!p0 [hbm:s0], s1  }
0x2b: {  	s0 =	simm.s32 @!p0 $0x1  }
0x2c: {  	_ =	swait.ge @!p0 [sflag:s0], s1  }
0x2d: {  	s1 =	ssub.s32 @!p0 $0x0, s1;
	[sflag:s0] =	ssyncset.done @!p0 $0x0  }
0x2e: {  	[sflag:s0] =	ssyncadd.s32 @!p0 s1  }
0x2f: {  	[bflag:$0x3] =	sbarrier.arrive $0xFFFF  }
0x30: {  	_ =	shalt  }

</sc_bundles>
